<compile_context>
chip_gen: v7x
topology: tpu7x:2x2x1
jax: 0.10.2.dev20260603
libtpu: 0.0.44.dev20260713+nightly
codegen_flags: <defaults>
</compile_context>

<pallas_src>
import functools

import jax
import jax.numpy as jnp
from jax import lax
from jax.experimental import pallas as pl
from jax.experimental.pallas import tpu as pltpu
from jax.experimental.pallas import tpu_sc as plsc

_B = 8
_N = 1024
_BN = _B * _N
_K = 20
_KP = 32
_EPS = 1e-5
_NC = 2
_NS = 16
_NW = _NC * _NS
_PTS = _BN // _NW
_PBLK = 128


def _lrelu(z):
    return jnp.where(z >= 0, z, 0.2 * z)


def _bdot(a, b):
    return jnp.dot(a, b, preferred_element_type=jnp.float32)


def _prep_call(x, xsqc, xsqr):
    _, n, cp = x.shape

    def body(x_ref, xsqc_ref, xsqr_ref, gidx_ref, q_ref, acc_ref):
        b = pl.program_id(0)
        xm = x_ref[0]
        xb = xm.astype(jnp.bfloat16)
        g = lax.dot_general(xb, xb, (((1,), (1,)), ((), ())),
                            preferred_element_type=jnp.float32)
        inner = -2.0 * g
        q_ref[...] = ((-xsqc_ref[0]) - inner) - xsqr_ref[0]
        ii = lax.broadcasted_iota(jnp.int32, (n, n), 0)
        rowt = lax.broadcasted_iota(jnp.int32, (_KP, n), 0)
        neg = jnp.float32(-jnp.inf)

        def rnd(t, carry):
            qv = q_ref[...]
            mx = jnp.max(qv, axis=0, keepdims=True)
            am = jnp.min(jnp.where(qv >= mx, ii, n), axis=0,
                         keepdims=True)
            acc_ref[...] = jnp.where(rowt == t, am, acc_ref[...])
            q_ref[...] = jnp.where(ii == am, neg, qv)
            return carry

        lax.fori_loop(0, _K, rnd, 0)
        gidx_ref[0] = acc_ref[...] + b * n

    return pl.pallas_call(
        body,
        grid=(x.shape[0],),
        in_specs=[
            pl.BlockSpec((1, n, cp), lambda b: (b, 0, 0)),
            pl.BlockSpec((1, n, 1), lambda b: (b, 0, 0)),
            pl.BlockSpec((1, 1, n), lambda b: (b, 0, 0)),
        ],
        out_specs=pl.BlockSpec((1, _KP, n), lambda b: (b, 0, 0)),
        out_shape=jax.ShapeDtypeStruct((x.shape[0], _KP, n), jnp.int32),
        scratch_shapes=[
            pltpu.VMEM((n, n), jnp.float32),
            pltpu.VMEM((_KP, n), jnp.int32),
        ],
    )(x, xsqc, xsqr)


def _sc_gather(x_flat, gidx_flat):
    cp = x_flat.shape[1]
    cpp = 1024 // cp
    cpk = cpp * _K
    nstep = _PTS // cpp
    mesh = plsc.VectorSubcoreMesh(core_axis_name="c", subcore_axis_name="s")

    @functools.partial(
        pl.kernel,
        mesh=mesh,
        out_type=jax.ShapeDtypeStruct((_BN * _K, cp), jnp.float32),
        scratch_types=[
            pltpu.VMEM((_PTS * _K,), jnp.int32),
            pltpu.VMEM((cpk, cp), jnp.float32),
            pltpu.VMEM((cpk, cp), jnp.float32),
            pltpu.SemaphoreType.DMA,
            pltpu.SemaphoreType.DMA,
        ],
    )
    def body(x_hbm, gidx_hbm, xg_hbm, idx_v, buf0, buf1, sem0, sem1):
        wid = lax.axis_index("s") * _NC + lax.axis_index("c")
        base = wid * _PTS
        pltpu.sync_copy(gidx_hbm.at[pl.ds(pl.multiple_of(base * _K, 8),
                                          _PTS * _K)], idx_v)
        pltpu.async_copy(x_hbm.at[idx_v.at[pl.ds(0, cpk)]], buf0, sem0)

        def pair(ip, carry):
            i0 = ip * 2
            off0 = pl.multiple_of(i0 * cpk, 8)
            off1 = pl.multiple_of((i0 + 1) * cpk, 8)
            pltpu.async_copy(x_hbm.at[idx_v.at[pl.ds(off1, cpk)]],
                             buf1, sem1)
            pltpu.make_async_copy(x_hbm.at[idx_v.at[pl.ds(off0, cpk)]],
                                  buf0, sem0).wait()
            pltpu.sync_copy(buf0, xg_hbm.at[pl.ds(
                pl.multiple_of(base * _K + i0 * cpk, 8), cpk)])

            @pl.when(i0 + 2 < nstep)
            def _():
                off2 = pl.multiple_of((i0 + 2) * cpk, 8)
                pltpu.async_copy(x_hbm.at[idx_v.at[pl.ds(off2, cpk)]],
                                 buf0, sem0)

            pltpu.make_async_copy(x_hbm.at[idx_v.at[pl.ds(off1, cpk)]],
                                  buf1, sem1).wait()
            pltpu.sync_copy(buf1, xg_hbm.at[pl.ds(
                pl.multiple_of(base * _K + (i0 + 1) * cpk, 8), cpk)])
            return carry

        lax.fori_loop(0, nstep // 2, pair, 0)

    return body(x_flat, gidx_flat)


def _edge_call(xg, xf, wcat):
    cp = xf.shape[1]
    hp = wcat.shape[1]

    def body(xg_ref, x_ref, w_ref, mx_ref, e_ref):
        xv = x_ref[...]
        xg3 = xg_ref[...].reshape(_PBLK, _K, cp)
        d = (xg3 - xv[:, None, :]).astype(jnp.bfloat16)
        db = d.reshape(_PBLK * _K, cp)
        xrep = jnp.broadcast_to(xv.astype(jnp.bfloat16)[:, None, :],
                                (_PBLK, _K, cp)).reshape(_PBLK * _K, cp)
        e = _bdot(jnp.concatenate([db, xrep], axis=1), w_ref[...])
        e3 = e.reshape(_PBLK, _K, hp)
        mx_ref[...] = jnp.max(e3, axis=1)
        e_ref[...] = e

    nblk = _BN // _PBLK
    return pl.pallas_call(
        body,
        grid=(nblk,),
        in_specs=[
            pl.BlockSpec((_PBLK * _K, cp), lambda i: (i, 0)),
            pl.BlockSpec((_PBLK, cp), lambda i: (i, 0)),
            pl.BlockSpec((2 * cp, hp), lambda i: (0, 0)),
        ],
        out_specs=[
            pl.BlockSpec((_PBLK, hp), lambda i: (i, 0)),
            pl.BlockSpec((_PBLK * _K, hp), lambda i: (i, 0)),
        ],
        out_shape=[
            jax.ShapeDtypeStruct((_BN, hp), jnp.float32),
            jax.ShapeDtypeStruct((_BN * _K, hp), jnp.float32),
        ],
    )(xg, xf, wcat)


def _finish_call(mx, mean, var, gam, bet):
    hp = mx.shape[1]

    def body(mx_ref, m_ref, v_ref, g_ref, b_ref, o_ref):
        sd = jnp.sqrt(v_ref[...] + _EPS)
        o_ref[...] = _lrelu(
            (mx_ref[...] - m_ref[...]) / sd * g_ref[...] + b_ref[...])

    full = pl.BlockSpec((_BN, hp), lambda: (0, 0))
    vec = pl.BlockSpec((1, hp), lambda: (0, 0))
    return pl.pallas_call(
        body,
        in_specs=[full, vec, vec, vec, vec],
        out_specs=full,
        out_shape=jax.ShapeDtypeStruct((_BN, hp), jnp.float32),
    )(mx, mean, var, gam, bet)


def _head_call(x1, x2, x3, x4, w5a, w5b, w5c, w5d, g5, b5,
               wf1, bf1, g6, b6, wf2, bf2, g7, b7, wf3, bf3):
    def body(x1_ref, x2_ref, x3_ref, x4_ref, w5a_ref, w5b_ref, w5c_ref,
             w5d_ref, g5_ref, b5_ref, wf1_ref, bf1_ref, g6_ref, b6_ref,
             wf2_ref, bf2_ref, g7_ref, b7_ref, wf3_ref, bf3_ref, o_ref):
        def bdot16(a_ref, w_ref):
            return _bdot(a_ref[...].astype(jnp.bfloat16), w_ref[...])

        y = (bdot16(x1_ref, w5a_ref) + bdot16(x2_ref, w5b_ref)
             + bdot16(x3_ref, w5c_ref) + bdot16(x4_ref, w5d_ref))
        cnt = jnp.float32(_BN)
        m = jnp.sum(y, 0, keepdims=True) / cnt
        var = jnp.sum(y * y, 0, keepdims=True) / cnt - m * m
        y = _lrelu((y - m) / jnp.sqrt(var + _EPS) * g5_ref[...] + b5_ref[...])
        xm = jnp.concatenate(
            [jnp.max(y[bb * _N:(bb + 1) * _N], 0, keepdims=True)
             for bb in range(_B)], 0)

        def bn_rows(t):
            mm = jnp.sum(t, 0, keepdims=True) / _B
            vv = jnp.sum(t * t, 0, keepdims=True) / _B - mm * mm
            return mm, vv

        t = _bdot(xm.astype(jnp.bfloat16), wf1_ref[...]) + bf1_ref[...]
        mm, vv = bn_rows(t)
        t = _lrelu((t - mm) / jnp.sqrt(vv + _EPS) * g6_ref[...] + b6_ref[...])
        t = _bdot(t.astype(jnp.bfloat16), wf2_ref[...]) + bf2_ref[...]
        mm, vv = bn_rows(t)
        t = _lrelu((t - mm) / jnp.sqrt(vv + _EPS) * g7_ref[...] + b7_ref[...])
        o_ref[...] = _bdot(t.astype(jnp.bfloat16), wf3_ref[...]) + bf3_ref[...]

    def fs(a):
        return pl.BlockSpec(a.shape, lambda: (0,) * a.ndim)

    args = (x1, x2, x3, x4, w5a, w5b, w5c, w5d, g5, b5,
            wf1, bf1, g6, b6, wf2, bf2, g7, b7, wf3, bf3)
    return pl.pallas_call(
        body,
        in_specs=[fs(a) for a in args],
        out_specs=pl.BlockSpec((_B, 40), lambda: (0, 0)),
        out_shape=jax.ShapeDtypeStruct((_B, 40), jnp.float32),
    )(*args)


def _pad_to(a, shape):
    return jnp.pad(a, tuple((0, t - s) for s, t in zip(a.shape, shape)))


def _edge_layer(xin_flat, w, gam, bet):
    cp = xin_flat.shape[1]
    c = w.shape[1] // 2
    hp = max(w.shape[0], 128)
    wcat = jnp.concatenate(
        [_pad_to(w[:, :c].T, (cp, hp)), _pad_to(w[:, c:].T, (cp, hp))],
        axis=0).astype(jnp.bfloat16)
    gam = jnp.pad(gam, (0, hp - gam.shape[0])).reshape(1, hp)
    bet = jnp.pad(bet, (0, hp - bet.shape[0])).reshape(1, hp)
    xt = jnp.transpose(xin_flat.reshape(_B, _N, cp), (0, 2, 1))[:, :c, :]
    xsq = jnp.sum(xt ** 2, axis=1)
    gidx = _prep_call(xin_flat.reshape(_B, _N, cp),
                      xsq.reshape(_B, _N, 1), xsq.reshape(_B, 1, _N))
    gidx_flat = jnp.transpose(gidx, (0, 2, 1))[:, :, :_K].reshape(_BN * _K)
    xg = _sc_gather(xin_flat, gidx_flat)
    mx, e_full = _edge_call(xg, xin_flat, wcat)
    h = w.shape[0]
    et = jnp.transpose(e_full.reshape(_B, _N, _K, hp)[:, :, :, :h],
                       (0, 3, 1, 2))
    mean = _pad_to(jnp.mean(et, axis=(0, 2, 3)), (hp,)).reshape(1, hp)
    var = _pad_to(jnp.var(et, axis=(0, 2, 3)), (hp,)).reshape(1, hp)
    return _finish_call(mx, mean, var, gam, bet)


def kernel(x, params):
    p = params
    x = x.astype(jnp.float32)
    h_flat = _pad_to(x.reshape(_BN, 3), (_BN, 128))
    feats = []
    for wn, gn, bn in (("W1", "g1", "b1"), ("W2", "g2", "b2"),
                       ("W3", "g3", "b3"), ("W4", "g4", "b4")):
        h_flat = _edge_layer(h_flat, p[wn], p[gn], p[bn])
        feats.append(h_flat)
    x1f, x2f, x3f, x4f = feats
    w5 = p["W5"]
    w5a = _pad_to(w5[:, :64].T, (x1f.shape[1], 512)).astype(jnp.bfloat16)
    w5b = _pad_to(w5[:, 64:128].T, (x2f.shape[1], 512)).astype(jnp.bfloat16)
    w5c = w5[:, 128:256].T.astype(jnp.bfloat16)
    w5d = w5[:, 256:].T.astype(jnp.bfloat16)
    y = _head_call(
        x1f, x2f, x3f, x4f, w5a, w5b, w5c, w5d,
        p["g5"].reshape(1, -1), p["b5"].reshape(1, -1),
        p["Wf1"].T.astype(jnp.bfloat16), p["bf1"].reshape(1, -1),
        p["g6"].reshape(1, -1), p["b6"].reshape(1, -1),
        p["Wf2"].T.astype(jnp.bfloat16), p["bf2"].reshape(1, -1),
        p["g7"].reshape(1, -1), p["b7"].reshape(1, -1),
        p["Wf3"].T.astype(jnp.bfloat16), p["bf3"].reshape(1, -1),
    )
    return y

# --- scband reference (transcript-rebuilt; emitter-appended) ---
"""Pipeline reference for scband-edge-cnn-33998961115945 (READ-ONLY COPY).

The authoritative reference and input builder live on the scoring server;
editing this copy changes nothing except your own understanding.
"""

import jax, jax.numpy as jnp
import numpy as np

B = 8
N = 1024
IN_CHANNELS = 3
HIDDEN = 64
NUM_CLASSES = 40
K = 20
EPS = 1e-5


def setup_inputs(seed: int = 0) -> dict:
    key = jax.random.key(seed)
    ks = jax.random.split(key, 16)
    h = HIDDEN
    x = jax.random.normal(ks[0], (B, N, IN_CHANNELS), dtype=jnp.float32)

    def w(k_, shape):
        return jax.random.normal(k_, shape, dtype=jnp.float32) * 0.1

    params = {
        'W1': w(ks[1], (h, 2 * IN_CHANNELS)), 'g1': jnp.ones((h,), jnp.float32), 'b1': jnp.zeros((h,), jnp.float32),
        'W2': w(ks[2], (h, 2 * h)), 'g2': jnp.ones((h,), jnp.float32), 'b2': jnp.zeros((h,), jnp.float32),
        'W3': w(ks[3], (2 * h, 2 * h)), 'g3': jnp.ones((2 * h,), jnp.float32), 'b3': jnp.zeros((2 * h,), jnp.float32),
        'W4': w(ks[4], (4 * h, 4 * h)), 'g4': jnp.ones((4 * h,), jnp.float32), 'b4': jnp.zeros((4 * h,), jnp.float32),
        'W5': w(ks[5], (8 * h, 8 * h)), 'g5': jnp.ones((8 * h,), jnp.float32), 'b5': jnp.zeros((8 * h,), jnp.float32),
        'Wf1': w(ks[6], (4 * h, 8 * h)), 'bf1': jnp.zeros((4 * h,), jnp.float32),
        'g6': jnp.ones((4 * h,), jnp.float32), 'b6': jnp.zeros((4 * h,), jnp.float32),
        'Wf2': w(ks[7], (2 * h, 4 * h)), 'bf2': jnp.zeros((2 * h,), jnp.float32),
        'g7': jnp.ones((2 * h,), jnp.float32), 'b7': jnp.zeros((2 * h,), jnp.float32),
        'Wf3': w(ks[8], (NUM_CLASSES, 2 * h)), 'bf3': jnp.zeros((NUM_CLASSES,), jnp.float32),
    }
    return {'x': x, 'params': params}


def _knn(x, k):
    # x: [B, C, N]
    inner = -2.0 * jnp.einsum('bcn,bcm->bnm', x, x)
    xx = jnp.sum(x ** 2, axis=1, keepdims=True)  # [B,1,N]
    pairwise = -xx - inner - jnp.transpose(xx, (0, 2, 1))  # [B,N,N]
    _, idx = jax.lax.top_k(pairwise, k)  # [B,N,k]
    return idx


def _get_graph_feature(x, k):
    # x: [B, C, N]
    b, c, n = x.shape
    idx = _knn(x, k)  # [B,N,k]
    xt = jnp.transpose(x, (0, 2, 1))  # [B,N,C]
    feature = xt[jnp.arange(b)[:, None, None], idx]  # [B,N,k,C] gather
    xe = jnp.broadcast_to(xt[:, :, None, :], (b, n, k, c))
    feat = jnp.concatenate((feature - xe, xe), axis=3)  # [B,N,k,2C]
    return jnp.transpose(feat, (0, 3, 1, 2))  # [B,2C,N,k]


def _edge_conv(x, W, g, bta, k):
    f = _get_graph_feature(x, k)  # [B,2C,N,k]
    f = jnp.einsum('oc,bcnk->bonk', W, f)  # 1x1 conv2d, no bias
    mean = jnp.mean(f, axis=(0, 2, 3), keepdims=True)
    var = jnp.var(f, axis=(0, 2, 3), keepdims=True)
    f = (f - mean) / jnp.sqrt(var + EPS) * g.reshape(1, -1, 1, 1) + bta.reshape(1, -1, 1, 1)
    f = jax.nn.leaky_relu(f, 0.2)
    return jnp.max(f, axis=-1)  # [B,out,N]


def _forward(x, p):
    xt = jnp.transpose(x, (0, 2, 1))  # [B,C,N]
    x1 = _edge_conv(xt, p['W1'], p['g1'], p['b1'], K)
    x2 = _edge_conv(x1, p['W2'], p['g2'], p['b2'], K)
    x3 = _edge_conv(x2, p['W3'], p['g3'], p['b3'], K)
    x4 = _edge_conv(x3, p['W4'], p['g4'], p['b4'], K)
    xc = jnp.concatenate((x1, x2, x3, x4), axis=1)  # [B,8h,N]
    xc = jnp.einsum('oc,bcn->bon', p['W5'], xc)  # conv1d 1x1, no bias
    mean = jnp.mean(xc, axis=(0, 2), keepdims=True)
    var = jnp.var(xc, axis=(0, 2), keepdims=True)
    xc = (xc - mean) / jnp.sqrt(var + EPS) * p['g5'].reshape(1, -1, 1) + p['b5'].reshape(1, -1, 1)
    xc = jax.nn.leaky_relu(xc, 0.2)
    xm = jnp.max(xc, axis=-1)  # [B,8h]
    # classifier (dropout is identity at inference)
    y = xm @ p['Wf1'].T + p['bf1']
    m = jnp.mean(y, axis=0, keepdims=True)
    v = jnp.var(y, axis=0, keepdims=True)
    y = (y - m) / jnp.sqrt(v + EPS) * p['g6'][None, :] + p['b6'][None, :]
    y = jax.nn.leaky_relu(y, 0.2)
    y = y @ p['Wf2'].T + p['bf2']
    m = jnp.mean(y, axis=0, keepdims=True)
    v = jnp.var(y, axis=0, keepdims=True)
    y = (y - m) / jnp.sqrt(v + EPS) * p['g7'][None, :] + p['b7'][None, :]
    y = jax.nn.leaky_relu(y, 0.2)
    y = y @ p['Wf3'].T + p['bf3']
    return y


def reference(x, params):
    return _forward(x, params)

if __name__ == "__main__":
    import jax
    _d = setup_inputs()
    print(jax.jit(kernel)(*tuple(_d.values())))

</pallas_src>

<mosaic_0001>
#map = affine_map<(d0, d1) -> (0, 0)>
#map1 = affine_map<(d0, d1) -> (0)>
module attributes {stable_mosaic.version = 14 : i64} {
  func.func @body(%arg0: i32, %arg1: i32, %arg2: memref<8192x128xf32, #tpu.memory_space<hbm>>, %arg3: memref<163840xi32, #tpu.memory_space<hbm>>, %arg4: memref<163840x128xf32, #tpu.memory_space<hbm>>, %arg5: memref<5120xi32, #tpu.memory_space<vmem>>, %arg6: memref<160x128xf32, #tpu.memory_space<vmem>>, %arg7: memref<160x128xf32, #tpu.memory_space<vmem>>, %arg8: memref<!tpu.dma_semaphore, #tpu.memory_space<semaphore_mem>>, %arg9: memref<!tpu.dma_semaphore, #tpu.memory_space<semaphore_mem>>) attributes {dimension_semantics = [#tpu.dimension_semantics<core_parallel>, #tpu.dimension_semantics<subcore_parallel>], iteration_bounds = array<i64: 2, 16>, scalar_prefetch = 0 : i64, scratch_operands = 5 : i64, tpu.core_type = #tpu.core_type<sc_vector_subcore>, window_params = [{transform_indices = #map}, {transform_indices = #map1}, {transform_indices = #map}]} {
    %mul3A = arith.constant 2 : i32
    %mul3A_0 = arith.muli %arg1, %mul3A : i32
    %add3A = arith.addi %mul3A_0, %arg0 : i32
    %mul3A_1 = arith.constant 256 : i32
    %mul3A_2 = arith.muli %add3A, %mul3A_1 : i32
    %mul3A_3 = arith.constant 20 : i32
    %mul3A_4 = arith.muli %mul3A_2, %mul3A_3 : i32
    %multiple_of3A = tpu.assume_multiple %mul3A_4, 8 : i32
    "tpu.region"() ({
      %run_scoped3A = tpu.sem_alloc : memref<!tpu.dma_semaphore, #tpu.memory_space<semaphore_mem>>
      %dma_start3A_14 = tpu.memref_slice %arg3[%multiple_of3A] : memref<163840xi32, #tpu.memory_space<hbm>> -> memref<5120xi32, #tpu.memory_space<hbm>>
      %dma_start3A_15 = tpu.memref_slice %arg3[%multiple_of3A] : memref<163840xi32, #tpu.memory_space<hbm>> -> memref<5120xi32, #tpu.memory_space<hbm>>
      tpu.enqueue_dma source(%dma_start3A_15 : memref<5120xi32, #tpu.memory_space<hbm>>) target(%arg5 : memref<5120xi32, #tpu.memory_space<vmem>>) target_semaphore(%run_scoped3A : memref<!tpu.dma_semaphore, #tpu.memory_space<semaphore_mem>>)
      %dma_wait3A = tpu.memref_slice %arg3[%multiple_of3A] : memref<163840xi32, #tpu.memory_space<hbm>> -> memref<5120xi32, #tpu.memory_space<hbm>>
      %dma_wait3A_16 = tpu.memref_slice %arg3[%multiple_of3A] : memref<163840xi32, #tpu.memory_space<hbm>> -> memref<5120xi32, #tpu.memory_space<hbm>>
      tpu.wait_dma2 semaphore(%run_scoped3A : memref<!tpu.dma_semaphore, #tpu.memory_space<semaphore_mem>>) src(%dma_wait3A_16 : memref<5120xi32, #tpu.memory_space<hbm>>) dst(%arg5 : memref<5120xi32, #tpu.memory_space<vmem>>)
      tpu.yield
    }) : () -> ()
    %dma_start3A = arith.constant 0 : i32
    %dma_start3A_5 = tpu.memref_slice %arg5[%dma_start3A] : memref<5120xi32, #tpu.memory_space<vmem>> -> memref<160xi32, #tpu.memory_space<vmem>>
    %dma_start3A_6 = arith.constant 0 : i32
    %dma_start3A_7 = arith.constant 0 : i32
    %dma_start3A_8 = tpu.memref_slice %arg2[%dma_start3A_6, %dma_start3A_7] : memref<8192x128xf32, #tpu.memory_space<hbm>> -> memref<8192x128xf32, #tpu.memory_space<hbm>>
    tpu.enqueue_indirect_dma source(%dma_start3A_8 : memref<8192x128xf32, #tpu.memory_space<hbm>>) target(%arg6 : memref<160x128xf32, #tpu.memory_space<vmem>>) offsets(%dma_start3A_5 : memref<160xi32, #tpu.memory_space<vmem>>) semaphore(%arg8 : memref<!tpu.dma_semaphore, #tpu.memory_space<semaphore_mem>>)
    %scan3A = arith.constant 0 : i32
    %scan3A_9 = arith.constant 0 : i32
    %scan3A_10 = arith.constant 16 : i32
    %scan3A_11 = arith.addi %scan3A_9, %scan3A_10 : i32
    %scan3A_12 = arith.constant 1 : i32
    scf.for %scan3A_14 = %scan3A_9 to %scan3A_11 step %scan3A_12  : i32 {
      %mul3A_15 = arith.constant 2 : i32
      %mul3A_16 = arith.muli %scan3A_14, %mul3A_15 : i32
      %mul3A_17 = arith.constant 160 : i32
      %mul3A_18 = arith.muli %mul3A_16, %mul3A_17 : i32
      %multiple_of3A_19 = tpu.assume_multiple %mul3A_18, 8 : i32
      %add3A_20 = arith.constant 1 : i32
      %add3A_21 = arith.addi %mul3A_16, %add3A_20 : i32
      %mul3A_22 = arith.constant 160 : i32
      %mul3A_23 = arith.muli %add3A_21, %mul3A_22 : i32
      %multiple_of3A_24 = tpu.assume_multiple %mul3A_23, 8 : i32
      %dma_start3A_25 = tpu.memref_slice %arg5[%multiple_of3A_24] : memref<5120xi32, #tpu.memory_space<vmem>> -> memref<160xi32, #tpu.memory_space<vmem>>
      %dma_start3A_26 = arith.constant 0 : i32
      %dma_start3A_27 = arith.constant 0 : i32
      %dma_start3A_28 = tpu.memref_slice %arg2[%dma_start3A_26, %dma_start3A_27] : memref<8192x128xf32, #tpu.memory_space<hbm>> -> memref<8192x128xf32, #tpu.memory_space<hbm>>
      tpu.enqueue_indirect_dma source(%dma_start3A_28 : memref<8192x128xf32, #tpu.memory_space<hbm>>) target(%arg7 : memref<160x128xf32, #tpu.memory_space<vmem>>) offsets(%dma_start3A_25 : memref<160xi32, #tpu.memory_space<vmem>>) semaphore(%arg9 : memref<!tpu.dma_semaphore, #tpu.memory_space<semaphore_mem>>)
      %dma_wait3A = tpu.memref_slice %arg5[%multiple_of3A_19] : memref<5120xi32, #tpu.memory_space<vmem>> -> memref<160xi32, #tpu.memory_space<vmem>>
      %dma_wait3A_29 = arith.constant 0 : i32
      %dma_wait3A_30 = arith.constant 0 : i32
      %dma_wait3A_31 = tpu.memref_slice %arg2[%dma_wait3A_29, %dma_wait3A_30] : memref<8192x128xf32, #tpu.memory_space<hbm>> -> memref<8192x128xf32, #tpu.memory_space<hbm>>
      tpu.wait_indirect_dma semaphore(%arg8 : memref<!tpu.dma_semaphore, #tpu.memory_space<semaphore_mem>>) src(%dma_wait3A_31 : memref<8192x128xf32, #tpu.memory_space<hbm>>) dst(%arg6 : memref<160x128xf32, #tpu.memory_space<vmem>>)
      %mul3A_32 = arith.constant 20 : i32
      %mul3A_33 = arith.muli %mul3A_2, %mul3A_32 : i32
      %mul3A_34 = arith.constant 160 : i32
      %mul3A_35 = arith.muli %mul3A_16, %mul3A_34 : i32
      %add3A_36 = arith.addi %mul3A_33, %mul3A_35 : i32
      %multiple_of3A_37 = tpu.assume_multiple %add3A_36, 8 : i32
      "tpu.region"() ({
        %run_scoped3A = tpu.sem_alloc : memref<!tpu.dma_semaphore, #tpu.memory_space<semaphore_mem>>
        %dma_start3A_54 = arith.constant 0 : i32
        %dma_start3A_55 = tpu.memref_slice %arg4[%multiple_of3A_37, %dma_start3A_54] : memref<163840x128xf32, #tpu.memory_space<hbm>> -> memref<160x128xf32, #tpu.memory_space<hbm>>
        %dma_start3A_56 = arith.constant 0 : i32
        %dma_start3A_57 = tpu.memref_slice %arg4[%multiple_of3A_37, %dma_start3A_56] : memref<163840x128xf32, #tpu.memory_space<hbm>> -> memref<160x128xf32, #tpu.memory_space<hbm>>
        tpu.enqueue_dma source(%arg6 : memref<160x128xf32, #tpu.memory_space<vmem>>) target(%dma_start3A_57 : memref<160x128xf32, #tpu.memory_space<hbm>>) target_semaphore(%run_scoped3A : memref<!tpu.dma_semaphore, #tpu.memory_space<semaphore_mem>>)
        %dma_wait3A_58 = arith.constant 0 : i32
        %dma_wait3A_59 = tpu.memref_slice %arg4[%multiple_of3A_37, %dma_wait3A_58] : memref<163840x128xf32, #tpu.memory_space<hbm>> -> memref<160x128xf32, #tpu.memory_space<hbm>>
        %dma_wait3A_60 = arith.constant 0 : i32
        %dma_wait3A_61 = tpu.memref_slice %arg4[%multiple_of3A_37, %dma_wait3A_60] : memref<163840x128xf32, #tpu.memory_space<hbm>> -> memref<160x128xf32, #tpu.memory_space<hbm>>
        tpu.wait_dma2 semaphore(%run_scoped3A : memref<!tpu.dma_semaphore, #tpu.memory_space<semaphore_mem>>) src(%arg6 : memref<160x128xf32, #tpu.memory_space<vmem>>) dst(%dma_wait3A_61 : memref<160x128xf32, #tpu.memory_space<hbm>>)
        tpu.yield
      }) : () -> ()
      %add3A_38 = arith.constant 2 : i32
      %add3A_39 = arith.addi %mul3A_16, %add3A_38 : i32
      %lt3A = arith.constant 32 : i32
      %lt3A_40 = arith.cmpi slt, %add3A_39, %lt3A : i32
      %convert_element_type3A = arith.extui %lt3A_40 : i1 to i32
      %cond3A = arith.constant 0 : i32
      %cond3A_41 = arith.cmpi ne, %convert_element_type3A, %cond3A : i32
      scf.if %cond3A_41 {
        %add3A_54 = arith.constant 2 : i32
        %add3A_55 = arith.addi %mul3A_16, %add3A_54 : i32
        %mul3A_56 = arith.constant 160 : i32
        %mul3A_57 = arith.muli %add3A_55, %mul3A_56 : i32
        %multiple_of3A_58 = tpu.assume_multiple %mul3A_57, 8 : i32
        %dma_start3A_59 = tpu.memref_slice %arg5[%multiple_of3A_58] : memref<5120xi32, #tpu.memory_space<vmem>> -> memref<160xi32, #tpu.memory_space<vmem>>
        %dma_start3A_60 = arith.constant 0 : i32
        %dma_start3A_61 = arith.constant 0 : i32
        %dma_start3A_62 = tpu.memref_slice %arg2[%dma_start3A_60, %dma_start3A_61] : memref<8192x128xf32, #tpu.memory_space<hbm>> -> memref<8192x128xf32, #tpu.memory_space<hbm>>
        tpu.enqueue_indirect_dma source(%dma_start3A_62 : memref<8192x128xf32, #tpu.memory_space<hbm>>) target(%arg6 : memref<160x128xf32, #tpu.memory_space<vmem>>) offsets(%dma_start3A_59 : memref<160xi32, #tpu.memory_space<vmem>>) semaphore(%arg8 : memref<!tpu.dma_semaphore, #tpu.memory_space<semaphore_mem>>)
      } else {
      }
      %dma_wait3A_42 = tpu.memref_slice %arg5[%multiple_of3A_24] : memref<5120xi32, #tpu.memory_space<vmem>> -> memref<160xi32, #tpu.memory_space<vmem>>
      %dma_wait3A_43 = arith.constant 0 : i32
      %dma_wait3A_44 = arith.constant 0 : i32
      %dma_wait3A_45 = tpu.memref_slice %arg2[%dma_wait3A_43, %dma_wait3A_44] : memref<8192x128xf32, #tpu.memory_space<hbm>> -> memref<8192x128xf32, #tpu.memory_space<hbm>>
      tpu.wait_indirect_dma semaphore(%arg9 : memref<!tpu.dma_semaphore, #tpu.memory_space<semaphore_mem>>) src(%dma_wait3A_45 : memref<8192x128xf32, #tpu.memory_space<hbm>>) dst(%arg7 : memref<160x128xf32, #tpu.memory_space<vmem>>)
      %mul3A_46 = arith.constant 20 : i32
      %mul3A_47 = arith.muli %mul3A_2, %mul3A_46 : i32
      %add3A_48 = arith.constant 1 : i32
      %add3A_49 = arith.addi %mul3A_16, %add3A_48 : i32
      %mul3A_50 = arith.constant 160 : i32
      %mul3A_51 = arith.muli %add3A_49, %mul3A_50 : i32
      %add3A_52 = arith.addi %mul3A_47, %mul3A_51 : i32
      %multiple_of3A_53 = tpu.assume_multiple %add3A_52, 8 : i32
      "tpu.region"() ({
        %run_scoped3A = tpu.sem_alloc : memref<!tpu.dma_semaphore, #tpu.memory_space<semaphore_mem>>
        %dma_start3A_54 = arith.constant 0 : i32
        %dma_start3A_55 = tpu.memref_slice %arg4[%multiple_of3A_53, %dma_start3A_54] : memref<163840x128xf32, #tpu.memory_space<hbm>> -> memref<160x128xf32, #tpu.memory_space<hbm>>
        %dma_start3A_56 = arith.constant 0 : i32
        %dma_start3A_57 = tpu.memref_slice %arg4[%multiple_of3A_53, %dma_start3A_56] : memref<163840x128xf32, #tpu.memory_space<hbm>> -> memref<160x128xf32, #tpu.memory_space<hbm>>
        tpu.enqueue_dma source(%arg7 : memref<160x128xf32, #tpu.memory_space<vmem>>) target(%dma_start3A_57 : memref<160x128xf32, #tpu.memory_space<hbm>>) target_semaphore(%run_scoped3A : memref<!tpu.dma_semaphore, #tpu.memory_space<semaphore_mem>>)
        %dma_wait3A_58 = arith.constant 0 : i32
        %dma_wait3A_59 = tpu.memref_slice %arg4[%multiple_of3A_53, %dma_wait3A_58] : memref<163840x128xf32, #tpu.memory_space<hbm>> -> memref<160x128xf32, #tpu.memory_space<hbm>>
        %dma_wait3A_60 = arith.constant 0 : i32
        %dma_wait3A_61 = tpu.memref_slice %arg4[%multiple_of3A_53, %dma_wait3A_60] : memref<163840x128xf32, #tpu.memory_space<hbm>> -> memref<160x128xf32, #tpu.memory_space<hbm>>
        tpu.wait_dma2 semaphore(%run_scoped3A : memref<!tpu.dma_semaphore, #tpu.memory_space<semaphore_mem>>) src(%arg7 : memref<160x128xf32, #tpu.memory_space<vmem>>) dst(%dma_wait3A_61 : memref<160x128xf32, #tpu.memory_space<hbm>>)
        tpu.yield
      }) : () -> ()
    }
    %scan3A_13 = arith.constant 16 : i32
    return
  }
}

#map = affine_map<(d0, d1) -> (0, 0)>
#map1 = affine_map<(d0, d1) -> (0)>
module attributes {stable_mosaic.version = 14 : i64} {
  func.func @body(%arg0: i32, %arg1: i32, %arg2: memref<8192x128xf32, #tpu.memory_space<hbm>>, %arg3: memref<163840xi32, #tpu.memory_space<hbm>>, %arg4: memref<163840x128xf32, #tpu.memory_space<hbm>>, %arg5: memref<5120xi32, #tpu.memory_space<vmem>>, %arg6: memref<160x128xf32, #tpu.memory_space<vmem>>, %arg7: memref<160x128xf32, #tpu.memory_space<vmem>>, %arg8: memref<!tpu.dma_semaphore, #tpu.memory_space<semaphore_mem>>, %arg9: memref<!tpu.dma_semaphore, #tpu.memory_space<semaphore_mem>>) attributes {dimension_semantics = [#tpu.dimension_semantics<core_parallel>, #tpu.dimension_semantics<subcore_parallel>], iteration_bounds = array<i64: 2, 16>, scalar_prefetch = 0 : i64, scratch_operands = 5 : i64, tpu.core_type = #tpu.core_type<sc_vector_subcore>, window_params = [{transform_indices = #map}, {transform_indices = #map1}, {transform_indices = #map}]} {
    %mul3A = arith.constant 2 : i32
    %mul3A_0 = arith.muli %arg1, %mul3A : i32
    %add3A = arith.addi %mul3A_0, %arg0 : i32
    %mul3A_1 = arith.constant 256 : i32
    %mul3A_2 = arith.muli %add3A, %mul3A_1 : i32
    %mul3A_3 = arith.constant 20 : i32
    %mul3A_4 = arith.muli %mul3A_2, %mul3A_3 : i32
    %multiple_of3A = tpu.assume_multiple %mul3A_4, 8 : i32
    "tpu.region"() ({
      %run_scoped3A = tpu.sem_alloc : memref<!tpu.dma_semaphore, #tpu.memory_space<semaphore_mem>>
      %dma_start3A_14 = tpu.memref_slice %arg3[%multiple_of3A] : memref<163840xi32, #tpu.memory_space<hbm>> -> memref<5120xi32, #tpu.memory_space<hbm>>
      %dma_start3A_15 = tpu.memref_slice %arg3[%multiple_of3A] : memref<163840xi32, #tpu.memory_space<hbm>> -> memref<5120xi32, #tpu.memory_space<hbm>>
      tpu.enqueue_dma source(%dma_start3A_15 : memref<5120xi32, #tpu.memory_space<hbm>>) target(%arg5 : memref<5120xi32, #tpu.memory_space<vmem>>) target_semaphore(%run_scoped3A : memref<!tpu.dma_semaphore, #tpu.memory_space<semaphore_mem>>)
      %dma_wait3A = tpu.memref_slice %arg3[%multiple_of3A] : memref<163840xi32, #tpu.memory_space<hbm>> -> memref<5120xi32, #tpu.memory_space<hbm>>
      %dma_wait3A_16 = tpu.memref_slice %arg3[%multiple_of3A] : memref<163840xi32, #tpu.memory_space<hbm>> -> memref<5120xi32, #tpu.memory_space<hbm>>
      tpu.wait_dma2 semaphore(%run_scoped3A : memref<!tpu.dma_semaphore, #tpu.memory_space<semaphore_mem>>) src(%dma_wait3A_16 : memref<5120xi32, #tpu.memory_space<hbm>>) dst(%arg5 : memref<5120xi32, #tpu.memory_space<vmem>>)
      tpu.yield
    }) : () -> ()
    %dma_start3A = arith.constant 0 : i32
    %dma_start3A_5 = tpu.memref_slice %arg5[%dma_start3A] : memref<5120xi32, #tpu.memory_space<vmem>> -> memref<160xi32, #tpu.memory_space<vmem>>
    %dma_start3A_6 = arith.constant 0 : i32
    %dma_start3A_7 = arith.constant 0 : i32
    %dma_start3A_8 = tpu.memref_slice %arg2[%dma_start3A_6, %dma_start3A_7] : memref<8192x128xf32, #tpu.memory_space<hbm>> -> memref<8192x128xf32, #tpu.memory_space<hbm>>
    tpu.enqueue_indirect_dma source(%dma_start3A_8 : memref<8192x128xf32, #tpu.memory_space<hbm>>) target(%arg6 : memref<160x128xf32, #tpu.memory_space<vmem>>) offsets(%dma_start3A_5 : memref<160xi32, #tpu.memory_space<vmem>>) semaphore(%arg8 : memref<!tpu.dma_semaphore, #tpu.memory_space<semaphore_mem>>)
    %scan3A = arith.constant 0 : i32
    %scan3A_9 = arith.constant 0 : i32
    %scan3A_10 = arith.constant 16 : i32
    %scan3A_11 = arith.addi %scan3A_9, %scan3A_10 : i32
    %scan3A_12 = arith.constant 1 : i32
    scf.for %scan3A_14 = %scan3A_9 to %scan3A_11 step %scan3A_12  : i32 {
      %mul3A_15 = arith.constant 2 : i32
      %mul3A_16 = arith.muli %scan3A_14, %mul3A_15 : i32
      %mul3A_17 = arith.constant 160 : i32
      %mul3A_18 = arith.muli %mul3A_16, %mul3A_17 : i32
      %multiple_of3A_19 = tpu.assume_multiple %mul3A_18, 8 : i32
      %add3A_20 = arith.constant 1 : i32
      %add3A_21 = arith.addi %mul3A_16, %add3A_20 : i32
      %mul3A_22 = arith.constant 160 : i32
      %mul3A_23 = arith.muli %add3A_21, %mul3A_22 : i32
      %multiple_of3A_24 = tpu.assume_multiple %mul3A_23, 8 : i32
      %dma_start3A_25 = tpu.memref_slice %arg5[%multiple_of3A_24] : memref<5120xi32, #tpu.memory_space<vmem>> -> memref<160xi32, #tpu.memory_space<vmem>>
      %dma_start3A_26 = arith.constant 0 : i32
      %dma_start3A_27 = arith.constant 0 : i32
      %dma_start3A_28 = tpu.memref_slice %arg2[%dma_start3A_26, %dma_start3A_27] : memref<8192x128xf32, #tpu.memory_space<hbm>> -> memref<8192x128xf32, #tpu.memory_space<hbm>>
      tpu.enqueue_indirect_dma source(%dma_start3A_28 : memref<8192x128xf32, #tpu.memory_space<hbm>>) target(%arg7 : memref<160x128xf32, #tpu.memory_space<vmem>>) offsets(%dma_start3A_25 : memref<160xi32, #tpu.memory_space<vmem>>) semaphore(%arg9 : memref<!tpu.dma_semaphore, #tpu.memory_space<semaphore_mem>>)
      %dma_wait3A = tpu.memref_slice %arg5[%multiple_of3A_19] : memref<5120xi32, #tpu.memory_space<vmem>> -> memref<160xi32, #tpu.memory_space<vmem>>
      %dma_wait3A_29 = arith.constant 0 : i32
      %dma_wait3A_30 = arith.constant 0 : i32
      %dma_wait3A_31 = tpu.memref_slice %arg2[%dma_wait3A_29, %dma_wait3A_30] : memref<8192x128xf32, #tpu.memory_space<hbm>> -> memref<8192x128xf32, #tpu.memory_space<hbm>>
      tpu.wait_indirect_dma semaphore(%arg8 : memref<!tpu.dma_semaphore, #tpu.memory_space<semaphore_mem>>) src(%dma_wait3A_31 : memref<8192x128xf32, #tpu.memory_space<hbm>>) dst(%arg6 : memref<160x128xf32, #tpu.memory_space<vmem>>)
      %mul3A_32 = arith.constant 20 : i32
      %mul3A_33 = arith.muli %mul3A_2, %mul3A_32 : i32
      %mul3A_34 = arith.constant 160 : i32
      %mul3A_35 = arith.muli %mul3A_16, %mul3A_34 : i32
      %add3A_36 = arith.addi %mul3A_33, %mul3A_35 : i32
      %multiple_of3A_37 = tpu.assume_multiple %add3A_36, 8 : i32
      "tpu.region"() ({
        %run_scoped3A = tpu.sem_alloc : memref<!tpu.dma_semaphore, #tpu.memory_space<semaphore_mem>>
        %dma_start3A_54 = arith.constant 0 : i32
        %dma_start3A_55 = tpu.memref_slice %arg4[%multiple_of3A_37, %dma_start3A_54] : memref<163840x128xf32, #tpu.memory_space<hbm>> -> memref<160x128xf32, #tpu.memory_space<hbm>>
        %dma_start3A_56 = arith.constant 0 : i32
        %dma_start3A_57 = tpu.memref_slice %arg4[%multiple_of3A_37, %dma_start3A_56] : memref<163840x128xf32, #tpu.memory_space<hbm>> -> memref<160x128xf32, #tpu.memory_space<hbm>>
        tpu.enqueue_dma source(%arg6 : memref<160x128xf32, #tpu.memory_space<vmem>>) target(%dma_start3A_57 : memref<160x128xf32, #tpu.memory_space<hbm>>) target_semaphore(%run_scoped3A : memref<!tpu.dma_semaphore, #tpu.memory_space<semaphore_mem>>)
        %dma_wait3A_58 = arith.constant 0 : i32
        %dma_wait3A_59 = tpu.memref_slice %arg4[%multiple_of3A_37, %dma_wait3A_58] : memref<163840x128xf32, #tpu.memory_space<hbm>> -> memref<160x128xf32, #tpu.memory_space<hbm>>
        %dma_wait3A_60 = arith.constant 0 : i32
        %dma_wait3A_61 = tpu.memref_slice %arg4[%multiple_of3A_37, %dma_wait3A_60] : memref<163840x128xf32, #tpu.memory_space<hbm>> -> memref<160x128xf32, #tpu.memory_space<hbm>>
        tpu.wait_dma2 semaphore(%run_scoped3A : memref<!tpu.dma_semaphore, #tpu.memory_space<semaphore_mem>>) src(%arg6 : memref<160x128xf32, #tpu.memory_space<vmem>>) dst(%dma_wait3A_61 : memref<160x128xf32, #tpu.memory_space<hbm>>)
        tpu.yield
      }) : () -> ()
      %add3A_38 = arith.constant 2 : i32
      %add3A_39 = arith.addi %mul3A_16, %add3A_38 : i32
      %lt3A = arith.constant 32 : i32
      %lt3A_40 = arith.cmpi slt, %add3A_39, %lt3A : i32
      %convert_element_type3A = arith.extui %lt3A_40 : i1 to i32
      %cond3A = arith.constant 0 : i32
      %cond3A_41 = arith.cmpi ne, %convert_element_type3A, %cond3A : i32
      scf.if %cond3A_41 {
        %add3A_54 = arith.constant 2 : i32
        %add3A_55 = arith.addi %mul3A_16, %add3A_54 : i32
        %mul3A_56 = arith.constant 160 : i32
        %mul3A_57 = arith.muli %add3A_55, %mul3A_56 : i32
        %multiple_of3A_58 = tpu.assume_multiple %mul3A_57, 8 : i32
        %dma_start3A_59 = tpu.memref_slice %arg5[%multiple_of3A_58] : memref<5120xi32, #tpu.memory_space<vmem>> -> memref<160xi32, #tpu.memory_space<vmem>>
        %dma_start3A_60 = arith.constant 0 : i32
        %dma_start3A_61 = arith.constant 0 : i32
        %dma_start3A_62 = tpu.memref_slice %arg2[%dma_start3A_60, %dma_start3A_61] : memref<8192x128xf32, #tpu.memory_space<hbm>> -> memref<8192x128xf32, #tpu.memory_space<hbm>>
        tpu.enqueue_indirect_dma source(%dma_start3A_62 : memref<8192x128xf32, #tpu.memory_space<hbm>>) target(%arg6 : memref<160x128xf32, #tpu.memory_space<vmem>>) offsets(%dma_start3A_59 : memref<160xi32, #tpu.memory_space<vmem>>) semaphore(%arg8 : memref<!tpu.dma_semaphore, #tpu.memory_space<semaphore_mem>>)
      } else {
      }
      %dma_wait3A_42 = tpu.memref_slice %arg5[%multiple_of3A_24] : memref<5120xi32, #tpu.memory_space<vmem>> -> memref<160xi32, #tpu.memory_space<vmem>>
      %dma_wait3A_43 = arith.constant 0 : i32
      %dma_wait3A_44 = arith.constant 0 : i32
      %dma_wait3A_45 = tpu.memref_slice %arg2[%dma_wait3A_43, %dma_wait3A_44] : memref<8192x128xf32, #tpu.memory_space<hbm>> -> memref<8192x128xf32, #tpu.memory_space<hbm>>
      tpu.wait_indirect_dma semaphore(%arg9 : memref<!tpu.dma_semaphore, #tpu.memory_space<semaphore_mem>>) src(%dma_wait3A_45 : memref<8192x128xf32, #tpu.memory_space<hbm>>) dst(%arg7 : memref<160x128xf32, #tpu.memory_space<vmem>>)
      %mul3A_46 = arith.constant 20 : i32
      %mul3A_47 = arith.muli %mul3A_2, %mul3A_46 : i32
      %add3A_48 = arith.constant 1 : i32
      %add3A_49 = arith.addi %mul3A_16, %add3A_48 : i32
      %mul3A_50 = arith.constant 160 : i32
      %mul3A_51 = arith.muli %add3A_49, %mul3A_50 : i32
      %add3A_52 = arith.addi %mul3A_47, %mul3A_51 : i32
      %multiple_of3A_53 = tpu.assume_multiple %add3A_52, 8 : i32
      "tpu.region"() ({
        %run_scoped3A = tpu.sem_alloc : memref<!tpu.dma_semaphore, #tpu.memory_space<semaphore_mem>>
        %dma_start3A_54 = arith.constant 0 : i32
        %dma_start3A_55 = tpu.memref_slice %arg4[%multiple_of3A_53, %dma_start3A_54] : memref<163840x128xf32, #tpu.memory_space<hbm>> -> memref<160x128xf32, #tpu.memory_space<hbm>>
        %dma_start3A_56 = arith.constant 0 : i32
        %dma_start3A_57 = tpu.memref_slice %arg4[%multiple_of3A_53, %dma_start3A_56] : memref<163840x128xf32, #tpu.memory_space<hbm>> -> memref<160x128xf32, #tpu.memory_space<hbm>>
        tpu.enqueue_dma source(%arg7 : memref<160x128xf32, #tpu.memory_space<vmem>>) target(%dma_start3A_57 : memref<160x128xf32, #tpu.memory_space<hbm>>) target_semaphore(%run_scoped3A : memref<!tpu.dma_semaphore, #tpu.memory_space<semaphore_mem>>)
        %dma_wait3A_58 = arith.constant 0 : i32
        %dma_wait3A_59 = tpu.memref_slice %arg4[%multiple_of3A_53, %dma_wait3A_58] : memref<163840x128xf32, #tpu.memory_space<hbm>> -> memref<160x128xf32, #tpu.memory_space<hbm>>
        %dma_wait3A_60 = arith.constant 0 : i32
        %dma_wait3A_61 = tpu.memref_slice %arg4[%multiple_of3A_53, %dma_wait3A_60] : memref<163840x128xf32, #tpu.memory_space<hbm>> -> memref<160x128xf32, #tpu.memory_space<hbm>>
        tpu.wait_dma2 semaphore(%run_scoped3A : memref<!tpu.dma_semaphore, #tpu.memory_space<semaphore_mem>>) src(%arg7 : memref<160x128xf32, #tpu.memory_space<vmem>>) dst(%dma_wait3A_61 : memref<160x128xf32, #tpu.memory_space<hbm>>)
        tpu.yield
      }) : () -> ()
    }
    %scan3A_13 = arith.constant 16 : i32
    return
  }
}

#map = affine_map<(d0, d1) -> (0, 0)>
#map1 = affine_map<(d0, d1) -> (0)>
module attributes {stable_mosaic.version = 14 : i64} {
  func.func @body(%arg0: i32, %arg1: i32, %arg2: memref<8192x128xf32, #tpu.memory_space<hbm>>, %arg3: memref<163840xi32, #tpu.memory_space<hbm>>, %arg4: memref<163840x128xf32, #tpu.memory_space<hbm>>, %arg5: memref<5120xi32, #tpu.memory_space<vmem>>, %arg6: memref<160x128xf32, #tpu.memory_space<vmem>>, %arg7: memref<160x128xf32, #tpu.memory_space<vmem>>, %arg8: memref<!tpu.dma_semaphore, #tpu.memory_space<semaphore_mem>>, %arg9: memref<!tpu.dma_semaphore, #tpu.memory_space<semaphore_mem>>) attributes {dimension_semantics = [#tpu.dimension_semantics<core_parallel>, #tpu.dimension_semantics<subcore_parallel>], iteration_bounds = array<i64: 2, 16>, scalar_prefetch = 0 : i64, scratch_operands = 5 : i64, tpu.core_type = #tpu.core_type<sc_vector_subcore>, window_params = [{transform_indices = #map}, {transform_indices = #map1}, {transform_indices = #map}]} {
    %mul3A = arith.constant 2 : i32
    %mul3A_0 = arith.muli %arg1, %mul3A : i32
    %add3A = arith.addi %mul3A_0, %arg0 : i32
    %mul3A_1 = arith.constant 256 : i32
    %mul3A_2 = arith.muli %add3A, %mul3A_1 : i32
    %mul3A_3 = arith.constant 20 : i32
    %mul3A_4 = arith.muli %mul3A_2, %mul3A_3 : i32
    %multiple_of3A = tpu.assume_multiple %mul3A_4, 8 : i32
    "tpu.region"() ({
      %run_scoped3A = tpu.sem_alloc : memref<!tpu.dma_semaphore, #tpu.memory_space<semaphore_mem>>
      %dma_start3A_14 = tpu.memref_slice %arg3[%multiple_of3A] : memref<163840xi32, #tpu.memory_space<hbm>> -> memref<5120xi32, #tpu.memory_space<hbm>>
      %dma_start3A_15 = tpu.memref_slice %arg3[%multiple_of3A] : memref<163840xi32, #tpu.memory_space<hbm>> -> memref<5120xi32, #tpu.memory_space<hbm>>
      tpu.enqueue_dma source(%dma_start3A_15 : memref<5120xi32, #tpu.memory_space<hbm>>) target(%arg5 : memref<5120xi32, #tpu.memory_space<vmem>>) target_semaphore(%run_scoped3A : memref<!tpu.dma_semaphore, #tpu.memory_space<semaphore_mem>>)
      %dma_wait3A = tpu.memref_slice %arg3[%multiple_of3A] : memref<163840xi32, #tpu.memory_space<hbm>> -> memref<5120xi32, #tpu.memory_space<hbm>>
      %dma_wait3A_16 = tpu.memref_slice %arg3[%multiple_of3A] : memref<163840xi32, #tpu.memory_space<hbm>> -> memref<5120xi32, #tpu.memory_space<hbm>>
      tpu.wait_dma2 semaphore(%run_scoped3A : memref<!tpu.dma_semaphore, #tpu.memory_space<semaphore_mem>>) src(%dma_wait3A_16 : memref<5120xi32, #tpu.memory_space<hbm>>) dst(%arg5 : memref<5120xi32, #tpu.memory_space<vmem>>)
      tpu.yield
    }) : () -> ()
    %dma_start3A = arith.constant 0 : i32
    %dma_start3A_5 = tpu.memref_slice %arg5[%dma_start3A] : memref<5120xi32, #tpu.memory_space<vmem>> -> memref<160xi32, #tpu.memory_space<vmem>>
    %dma_start3A_6 = arith.constant 0 : i32
    %dma_start3A_7 = arith.constant 0 : i32
    %dma_start3A_8 = tpu.memref_slice %arg2[%dma_start3A_6, %dma_start3A_7] : memref<8192x128xf32, #tpu.memory_space<hbm>> -> memref<8192x128xf32, #tpu.memory_space<hbm>>
    tpu.enqueue_indirect_dma source(%dma_start3A_8 : memref<8192x128xf32, #tpu.memory_space<hbm>>) target(%arg6 : memref<160x128xf32, #tpu.memory_space<vmem>>) offsets(%dma_start3A_5 : memref<160xi32, #tpu.memory_space<vmem>>) semaphore(%arg8 : memref<!tpu.dma_semaphore, #tpu.memory_space<semaphore_mem>>)
    %scan3A = arith.constant 0 : i32
    %scan3A_9 = arith.constant 0 : i32
    %scan3A_10 = arith.constant 16 : i32
    %scan3A_11 = arith.addi %scan3A_9, %scan3A_10 : i32
    %scan3A_12 = arith.constant 1 : i32
    scf.for %scan3A_14 = %scan3A_9 to %scan3A_11 step %scan3A_12  : i32 {
      %mul3A_15 = arith.constant 2 : i32
      %mul3A_16 = arith.muli %scan3A_14, %mul3A_15 : i32
      %mul3A_17 = arith.constant 160 : i32
      %mul3A_18 = arith.muli %mul3A_16, %mul3A_17 : i32
      %multiple_of3A_19 = tpu.assume_multiple %mul3A_18, 8 : i32
      %add3A_20 = arith.constant 1 : i32
      %add3A_21 = arith.addi %mul3A_16, %add3A_20 : i32
      %mul3A_22 = arith.constant 160 : i32
      %mul3A_23 = arith.muli %add3A_21, %mul3A_22 : i32
      %multiple_of3A_24 = tpu.assume_multiple %mul3A_23, 8 : i32
      %dma_start3A_25 = tpu.memref_slice %arg5[%multiple_of3A_24] : memref<5120xi32, #tpu.memory_space<vmem>> -> memref<160xi32, #tpu.memory_space<vmem>>
      %dma_start3A_26 = arith.constant 0 : i32
      %dma_start3A_27 = arith.constant 0 : i32
      %dma_start3A_28 = tpu.memref_slice %arg2[%dma_start3A_26, %dma_start3A_27] : memref<8192x128xf32, #tpu.memory_space<hbm>> -> memref<8192x128xf32, #tpu.memory_space<hbm>>
      tpu.enqueue_indirect_dma source(%dma_start3A_28 : memref<8192x128xf32, #tpu.memory_space<hbm>>) target(%arg7 : memref<160x128xf32, #tpu.memory_space<vmem>>) offsets(%dma_start3A_25 : memref<160xi32, #tpu.memory_space<vmem>>) semaphore(%arg9 : memref<!tpu.dma_semaphore, #tpu.memory_space<semaphore_mem>>)
      %dma_wait3A = tpu.memref_slice %arg5[%multiple_of3A_19] : memref<5120xi32, #tpu.memory_space<vmem>> -> memref<160xi32, #tpu.memory_space<vmem>>
      %dma_wait3A_29 = arith.constant 0 : i32
      %dma_wait3A_30 = arith.constant 0 : i32
      %dma_wait3A_31 = tpu.memref_slice %arg2[%dma_wait3A_29, %dma_wait3A_30] : memref<8192x128xf32, #tpu.memory_space<hbm>> -> memref<8192x128xf32, #tpu.memory_space<hbm>>
      tpu.wait_indirect_dma semaphore(%arg8 : memref<!tpu.dma_semaphore, #tpu.memory_space<semaphore_mem>>) src(%dma_wait3A_31 : memref<8192x128xf32, #tpu.memory_space<hbm>>) dst(%arg6 : memref<160x128xf32, #tpu.memory_space<vmem>>)
      %mul3A_32 = arith.constant 20 : i32
      %mul3A_33 = arith.muli %mul3A_2, %mul3A_32 : i32
      %mul3A_34 = arith.constant 160 : i32
      %mul3A_35 = arith.muli %mul3A_16, %mul3A_34 : i32
      %add3A_36 = arith.addi %mul3A_33, %mul3A_35 : i32
      %multiple_of3A_37 = tpu.assume_multiple %add3A_36, 8 : i32
      "tpu.region"() ({
        %run_scoped3A = tpu.sem_alloc : memref<!tpu.dma_semaphore, #tpu.memory_space<semaphore_mem>>
        %dma_start3A_54 = arith.constant 0 : i32
        %dma_start3A_55 = tpu.memref_slice %arg4[%multiple_of3A_37, %dma_start3A_54] : memref<163840x128xf32, #tpu.memory_space<hbm>> -> memref<160x128xf32, #tpu.memory_space<hbm>>
        %dma_start3A_56 = arith.constant 0 : i32
        %dma_start3A_57 = tpu.memref_slice %arg4[%multiple_of3A_37, %dma_start3A_56] : memref<163840x128xf32, #tpu.memory_space<hbm>> -> memref<160x128xf32, #tpu.memory_space<hbm>>
        tpu.enqueue_dma source(%arg6 : memref<160x128xf32, #tpu.memory_space<vmem>>) target(%dma_start3A_57 : memref<160x128xf32, #tpu.memory_space<hbm>>) target_semaphore(%run_scoped3A : memref<!tpu.dma_semaphore, #tpu.memory_space<semaphore_mem>>)
        %dma_wait3A_58 = arith.constant 0 : i32
        %dma_wait3A_59 = tpu.memref_slice %arg4[%multiple_of3A_37, %dma_wait3A_58] : memref<163840x128xf32, #tpu.memory_space<hbm>> -> memref<160x128xf32, #tpu.memory_space<hbm>>
        %dma_wait3A_60 = arith.constant 0 : i32
        %dma_wait3A_61 = tpu.memref_slice %arg4[%multiple_of3A_37, %dma_wait3A_60] : memref<163840x128xf32, #tpu.memory_space<hbm>> -> memref<160x128xf32, #tpu.memory_space<hbm>>
        tpu.wait_dma2 semaphore(%run_scoped3A : memref<!tpu.dma_semaphore, #tpu.memory_space<semaphore_mem>>) src(%arg6 : memref<160x128xf32, #tpu.memory_space<vmem>>) dst(%dma_wait3A_61 : memref<160x128xf32, #tpu.memory_space<hbm>>)
        tpu.yield
      }) : () -> ()
      %add3A_38 = arith.constant 2 : i32
      %add3A_39 = arith.addi %mul3A_16, %add3A_38 : i32
      %lt3A = arith.constant 32 : i32
      %lt3A_40 = arith.cmpi slt, %add3A_39, %lt3A : i32
      %convert_element_type3A = arith.extui %lt3A_40 : i1 to i32
      %cond3A = arith.constant 0 : i32
      %cond3A_41 = arith.cmpi ne, %convert_element_type3A, %cond3A : i32
      scf.if %cond3A_41 {
        %add3A_54 = arith.constant 2 : i32
        %add3A_55 = arith.addi %mul3A_16, %add3A_54 : i32
        %mul3A_56 = arith.constant 160 : i32
        %mul3A_57 = arith.muli %add3A_55, %mul3A_56 : i32
        %multiple_of3A_58 = tpu.assume_multiple %mul3A_57, 8 : i32
        %dma_start3A_59 = tpu.memref_slice %arg5[%multiple_of3A_58] : memref<5120xi32, #tpu.memory_space<vmem>> -> memref<160xi32, #tpu.memory_space<vmem>>
        %dma_start3A_60 = arith.constant 0 : i32
        %dma_start3A_61 = arith.constant 0 : i32
        %dma_start3A_62 = tpu.memref_slice %arg2[%dma_start3A_60, %dma_start3A_61] : memref<8192x128xf32, #tpu.memory_space<hbm>> -> memref<8192x128xf32, #tpu.memory_space<hbm>>
        tpu.enqueue_indirect_dma source(%dma_start3A_62 : memref<8192x128xf32, #tpu.memory_space<hbm>>) target(%arg6 : memref<160x128xf32, #tpu.memory_space<vmem>>) offsets(%dma_start3A_59 : memref<160xi32, #tpu.memory_space<vmem>>) semaphore(%arg8 : memref<!tpu.dma_semaphore, #tpu.memory_space<semaphore_mem>>)
      } else {
      }
      %dma_wait3A_42 = tpu.memref_slice %arg5[%multiple_of3A_24] : memref<5120xi32, #tpu.memory_space<vmem>> -> memref<160xi32, #tpu.memory_space<vmem>>
      %dma_wait3A_43 = arith.constant 0 : i32
      %dma_wait3A_44 = arith.constant 0 : i32
      %dma_wait3A_45 = tpu.memref_slice %arg2[%dma_wait3A_43, %dma_wait3A_44] : memref<8192x128xf32, #tpu.memory_space<hbm>> -> memref<8192x128xf32, #tpu.memory_space<hbm>>
      tpu.wait_indirect_dma semaphore(%arg9 : memref<!tpu.dma_semaphore, #tpu.memory_space<semaphore_mem>>) src(%dma_wait3A_45 : memref<8192x128xf32, #tpu.memory_space<hbm>>) dst(%arg7 : memref<160x128xf32, #tpu.memory_space<vmem>>)
      %mul3A_46 = arith.constant 20 : i32
      %mul3A_47 = arith.muli %mul3A_2, %mul3A_46 : i32
      %add3A_48 = arith.constant 1 : i32
      %add3A_49 = arith.addi %mul3A_16, %add3A_48 : i32
      %mul3A_50 = arith.constant 160 : i32
      %mul3A_51 = arith.muli %add3A_49, %mul3A_50 : i32
      %add3A_52 = arith.addi %mul3A_47, %mul3A_51 : i32
      %multiple_of3A_53 = tpu.assume_multiple %add3A_52, 8 : i32
      "tpu.region"() ({
        %run_scoped3A = tpu.sem_alloc : memref<!tpu.dma_semaphore, #tpu.memory_space<semaphore_mem>>
        %dma_start3A_54 = arith.constant 0 : i32
        %dma_start3A_55 = tpu.memref_slice %arg4[%multiple_of3A_53, %dma_start3A_54] : memref<163840x128xf32, #tpu.memory_space<hbm>> -> memref<160x128xf32, #tpu.memory_space<hbm>>
        %dma_start3A_56 = arith.constant 0 : i32
        %dma_start3A_57 = tpu.memref_slice %arg4[%multiple_of3A_53, %dma_start3A_56] : memref<163840x128xf32, #tpu.memory_space<hbm>> -> memref<160x128xf32, #tpu.memory_space<hbm>>
        tpu.enqueue_dma source(%arg7 : memref<160x128xf32, #tpu.memory_space<vmem>>) target(%dma_start3A_57 : memref<160x128xf32, #tpu.memory_space<hbm>>) target_semaphore(%run_scoped3A : memref<!tpu.dma_semaphore, #tpu.memory_space<semaphore_mem>>)
        %dma_wait3A_58 = arith.constant 0 : i32
        %dma_wait3A_59 = tpu.memref_slice %arg4[%multiple_of3A_53, %dma_wait3A_58] : memref<163840x128xf32, #tpu.memory_space<hbm>> -> memref<160x128xf32, #tpu.memory_space<hbm>>
        %dma_wait3A_60 = arith.constant 0 : i32
        %dma_wait3A_61 = tpu.memref_slice %arg4[%multiple_of3A_53, %dma_wait3A_60] : memref<163840x128xf32, #tpu.memory_space<hbm>> -> memref<160x128xf32, #tpu.memory_space<hbm>>
        tpu.wait_dma2 semaphore(%run_scoped3A : memref<!tpu.dma_semaphore, #tpu.memory_space<semaphore_mem>>) src(%arg7 : memref<160x128xf32, #tpu.memory_space<vmem>>) dst(%dma_wait3A_61 : memref<160x128xf32, #tpu.memory_space<hbm>>)
        tpu.yield
      }) : () -> ()
    }
    %scan3A_13 = arith.constant 16 : i32
    return
  }
}

#map = affine_map<(d0, d1) -> (0, 0)>
#map1 = affine_map<(d0, d1) -> (0)>
module attributes {stable_mosaic.version = 14 : i64} {
  func.func @body(%arg0: i32, %arg1: i32, %arg2: memref<8192x128xf32, #tpu.memory_space<hbm>>, %arg3: memref<163840xi32, #tpu.memory_space<hbm>>, %arg4: memref<163840x128xf32, #tpu.memory_space<hbm>>, %arg5: memref<5120xi32, #tpu.memory_space<vmem>>, %arg6: memref<160x128xf32, #tpu.memory_space<vmem>>, %arg7: memref<160x128xf32, #tpu.memory_space<vmem>>, %arg8: memref<!tpu.dma_semaphore, #tpu.memory_space<semaphore_mem>>, %arg9: memref<!tpu.dma_semaphore, #tpu.memory_space<semaphore_mem>>) attributes {dimension_semantics = [#tpu.dimension_semantics<core_parallel>, #tpu.dimension_semantics<subcore_parallel>], iteration_bounds = array<i64: 2, 16>, scalar_prefetch = 0 : i64, scratch_operands = 5 : i64, tpu.core_type = #tpu.core_type<sc_vector_subcore>, window_params = [{transform_indices = #map}, {transform_indices = #map1}, {transform_indices = #map}]} {
    %mul3A = arith.constant 2 : i32
    %mul3A_0 = arith.muli %arg1, %mul3A : i32
    %add3A = arith.addi %mul3A_0, %arg0 : i32
    %mul3A_1 = arith.constant 256 : i32
    %mul3A_2 = arith.muli %add3A, %mul3A_1 : i32
    %mul3A_3 = arith.constant 20 : i32
    %mul3A_4 = arith.muli %mul3A_2, %mul3A_3 : i32
    %multiple_of3A = tpu.assume_multiple %mul3A_4, 8 : i32
    "tpu.region"() ({
      %run_scoped3A = tpu.sem_alloc : memref<!tpu.dma_semaphore, #tpu.memory_space<semaphore_mem>>
      %dma_start3A_14 = tpu.memref_slice %arg3[%multiple_of3A] : memref<163840xi32, #tpu.memory_space<hbm>> -> memref<5120xi32, #tpu.memory_space<hbm>>
      %dma_start3A_15 = tpu.memref_slice %arg3[%multiple_of3A] : memref<163840xi32, #tpu.memory_space<hbm>> -> memref<5120xi32, #tpu.memory_space<hbm>>
      tpu.enqueue_dma source(%dma_start3A_15 : memref<5120xi32, #tpu.memory_space<hbm>>) target(%arg5 : memref<5120xi32, #tpu.memory_space<vmem>>) target_semaphore(%run_scoped3A : memref<!tpu.dma_semaphore, #tpu.memory_space<semaphore_mem>>)
      %dma_wait3A = tpu.memref_slice %arg3[%multiple_of3A] : memref<163840xi32, #tpu.memory_space<hbm>> -> memref<5120xi32, #tpu.memory_space<hbm>>
      %dma_wait3A_16 = tpu.memref_slice %arg3[%multiple_of3A] : memref<163840xi32, #tpu.memory_space<hbm>> -> memref<5120xi32, #tpu.memory_space<hbm>>
      tpu.wait_dma2 semaphore(%run_scoped3A : memref<!tpu.dma_semaphore, #tpu.memory_space<semaphore_mem>>) src(%dma_wait3A_16 : memref<5120xi32, #tpu.memory_space<hbm>>) dst(%arg5 : memref<5120xi32, #tpu.memory_space<vmem>>)
      tpu.yield
    }) : () -> ()
    %dma_start3A = arith.constant 0 : i32
    %dma_start3A_5 = tpu.memref_slice %arg5[%dma_start3A] : memref<5120xi32, #tpu.memory_space<vmem>> -> memref<160xi32, #tpu.memory_space<vmem>>
    %dma_start3A_6 = arith.constant 0 : i32
    %dma_start3A_7 = arith.constant 0 : i32
    %dma_start3A_8 = tpu.memref_slice %arg2[%dma_start3A_6, %dma_start3A_7] : memref<8192x128xf32, #tpu.memory_space<hbm>> -> memref<8192x128xf32, #tpu.memory_space<hbm>>
    tpu.enqueue_indirect_dma source(%dma_start3A_8 : memref<8192x128xf32, #tpu.memory_space<hbm>>) target(%arg6 : memref<160x128xf32, #tpu.memory_space<vmem>>) offsets(%dma_start3A_5 : memref<160xi32, #tpu.memory_space<vmem>>) semaphore(%arg8 : memref<!tpu.dma_semaphore, #tpu.memory_space<semaphore_mem>>)
    %scan3A = arith.constant 0 : i32
    %scan3A_9 = arith.constant 0 : i32
    %scan3A_10 = arith.constant 16 : i32
    %scan3A_11 = arith.addi %scan3A_9, %scan3A_10 : i32
    %scan3A_12 = arith.constant 1 : i32
    scf.for %scan3A_14 = %scan3A_9 to %scan3A_11 step %scan3A_12  : i32 {
      %mul3A_15 = arith.constant 2 : i32
      %mul3A_16 = arith.muli %scan3A_14, %mul3A_15 : i32
      %mul3A_17 = arith.constant 160 : i32
      %mul3A_18 = arith.muli %mul3A_16, %mul3A_17 : i32
      %multiple_of3A_19 = tpu.assume_multiple %mul3A_18, 8 : i32
      %add3A_20 = arith.constant 1 : i32
      %add3A_21 = arith.addi %mul3A_16, %add3A_20 : i32
      %mul3A_22 = arith.constant 160 : i32
      %mul3A_23 = arith.muli %add3A_21, %mul3A_22 : i32
      %multiple_of3A_24 = tpu.assume_multiple %mul3A_23, 8 : i32
      %dma_start3A_25 = tpu.memref_slice %arg5[%multiple_of3A_24] : memref<5120xi32, #tpu.memory_space<vmem>> -> memref<160xi32, #tpu.memory_space<vmem>>
      %dma_start3A_26 = arith.constant 0 : i32
      %dma_start3A_27 = arith.constant 0 : i32
      %dma_start3A_28 = tpu.memref_slice %arg2[%dma_start3A_26, %dma_start3A_27] : memref<8192x128xf32, #tpu.memory_space<hbm>> -> memref<8192x128xf32, #tpu.memory_space<hbm>>
      tpu.enqueue_indirect_dma source(%dma_start3A_28 : memref<8192x128xf32, #tpu.memory_space<hbm>>) target(%arg7 : memref<160x128xf32, #tpu.memory_space<vmem>>) offsets(%dma_start3A_25 : memref<160xi32, #tpu.memory_space<vmem>>) semaphore(%arg9 : memref<!tpu.dma_semaphore, #tpu.memory_space<semaphore_mem>>)
      %dma_wait3A = tpu.memref_slice %arg5[%multiple_of3A_19] : memref<5120xi32, #tpu.memory_space<vmem>> -> memref<160xi32, #tpu.memory_space<vmem>>
      %dma_wait3A_29 = arith.constant 0 : i32
      %dma_wait3A_30 = arith.constant 0 : i32
      %dma_wait3A_31 = tpu.memref_slice %arg2[%dma_wait3A_29, %dma_wait3A_30] : memref<8192x128xf32, #tpu.memory_space<hbm>> -> memref<8192x128xf32, #tpu.memory_space<hbm>>
      tpu.wait_indirect_dma semaphore(%arg8 : memref<!tpu.dma_semaphore, #tpu.memory_space<semaphore_mem>>) src(%dma_wait3A_31 : memref<8192x128xf32, #tpu.memory_space<hbm>>) dst(%arg6 : memref<160x128xf32, #tpu.memory_space<vmem>>)
      %mul3A_32 = arith.constant 20 : i32
      %mul3A_33 = arith.muli %mul3A_2, %mul3A_32 : i32
      %mul3A_34 = arith.constant 160 : i32
      %mul3A_35 = arith.muli %mul3A_16, %mul3A_34 : i32
      %add3A_36 = arith.addi %mul3A_33, %mul3A_35 : i32
      %multiple_of3A_37 = tpu.assume_multiple %add3A_36, 8 : i32
      "tpu.region"() ({
        %run_scoped3A = tpu.sem_alloc : memref<!tpu.dma_semaphore, #tpu.memory_space<semaphore_mem>>
        %dma_start3A_54 = arith.constant 0 : i32
        %dma_start3A_55 = tpu.memref_slice %arg4[%multiple_of3A_37, %dma_start3A_54] : memref<163840x128xf32, #tpu.memory_space<hbm>> -> memref<160x128xf32, #tpu.memory_space<hbm>>
        %dma_start3A_56 = arith.constant 0 : i32
        %dma_start3A_57 = tpu.memref_slice %arg4[%multiple_of3A_37, %dma_start3A_56] : memref<163840x128xf32, #tpu.memory_space<hbm>> -> memref<160x128xf32, #tpu.memory_space<hbm>>
        tpu.enqueue_dma source(%arg6 : memref<160x128xf32, #tpu.memory_space<vmem>>) target(%dma_start3A_57 : memref<160x128xf32, #tpu.memory_space<hbm>>) target_semaphore(%run_scoped3A : memref<!tpu.dma_semaphore, #tpu.memory_space<semaphore_mem>>)
        %dma_wait3A_58 = arith.constant 0 : i32
        %dma_wait3A_59 = tpu.memref_slice %arg4[%multiple_of3A_37, %dma_wait3A_58] : memref<163840x128xf32, #tpu.memory_space<hbm>> -> memref<160x128xf32, #tpu.memory_space<hbm>>
        %dma_wait3A_60 = arith.constant 0 : i32
        %dma_wait3A_61 = tpu.memref_slice %arg4[%multiple_of3A_37, %dma_wait3A_60] : memref<163840x128xf32, #tpu.memory_space<hbm>> -> memref<160x128xf32, #tpu.memory_space<hbm>>
        tpu.wait_dma2 semaphore(%run_scoped3A : memref<!tpu.dma_semaphore, #tpu.memory_space<semaphore_mem>>) src(%arg6 : memref<160x128xf32, #tpu.memory_space<vmem>>) dst(%dma_wait3A_61 : memref<160x128xf32, #tpu.memory_space<hbm>>)
        tpu.yield
      }) : () -> ()
      %add3A_38 = arith.constant 2 : i32
      %add3A_39 = arith.addi %mul3A_16, %add3A_38 : i32
      %lt3A = arith.constant 32 : i32
      %lt3A_40 = arith.cmpi slt, %add3A_39, %lt3A : i32
      %convert_element_type3A = arith.extui %lt3A_40 : i1 to i32
      %cond3A = arith.constant 0 : i32
      %cond3A_41 = arith.cmpi ne, %convert_element_type3A, %cond3A : i32
      scf.if %cond3A_41 {
        %add3A_54 = arith.constant 2 : i32
        %add3A_55 = arith.addi %mul3A_16, %add3A_54 : i32
        %mul3A_56 = arith.constant 160 : i32
        %mul3A_57 = arith.muli %add3A_55, %mul3A_56 : i32
        %multiple_of3A_58 = tpu.assume_multiple %mul3A_57, 8 : i32
        %dma_start3A_59 = tpu.memref_slice %arg5[%multiple_of3A_58] : memref<5120xi32, #tpu.memory_space<vmem>> -> memref<160xi32, #tpu.memory_space<vmem>>
        %dma_start3A_60 = arith.constant 0 : i32
        %dma_start3A_61 = arith.constant 0 : i32
        %dma_start3A_62 = tpu.memref_slice %arg2[%dma_start3A_60, %dma_start3A_61] : memref<8192x128xf32, #tpu.memory_space<hbm>> -> memref<8192x128xf32, #tpu.memory_space<hbm>>
        tpu.enqueue_indirect_dma source(%dma_start3A_62 : memref<8192x128xf32, #tpu.memory_space<hbm>>) target(%arg6 : memref<160x128xf32, #tpu.memory_space<vmem>>) offsets(%dma_start3A_59 : memref<160xi32, #tpu.memory_space<vmem>>) semaphore(%arg8 : memref<!tpu.dma_semaphore, #tpu.memory_space<semaphore_mem>>)
      } else {
      }
      %dma_wait3A_42 = tpu.memref_slice %arg5[%multiple_of3A_24] : memref<5120xi32, #tpu.memory_space<vmem>> -> memref<160xi32, #tpu.memory_space<vmem>>
      %dma_wait3A_43 = arith.constant 0 : i32
      %dma_wait3A_44 = arith.constant 0 : i32
      %dma_wait3A_45 = tpu.memref_slice %arg2[%dma_wait3A_43, %dma_wait3A_44] : memref<8192x128xf32, #tpu.memory_space<hbm>> -> memref<8192x128xf32, #tpu.memory_space<hbm>>
      tpu.wait_indirect_dma semaphore(%arg9 : memref<!tpu.dma_semaphore, #tpu.memory_space<semaphore_mem>>) src(%dma_wait3A_45 : memref<8192x128xf32, #tpu.memory_space<hbm>>) dst(%arg7 : memref<160x128xf32, #tpu.memory_space<vmem>>)
      %mul3A_46 = arith.constant 20 : i32
      %mul3A_47 = arith.muli %mul3A_2, %mul3A_46 : i32
      %add3A_48 = arith.constant 1 : i32
      %add3A_49 = arith.addi %mul3A_16, %add3A_48 : i32
      %mul3A_50 = arith.constant 160 : i32
      %mul3A_51 = arith.muli %add3A_49, %mul3A_50 : i32
      %add3A_52 = arith.addi %mul3A_47, %mul3A_51 : i32
      %multiple_of3A_53 = tpu.assume_multiple %add3A_52, 8 : i32
      "tpu.region"() ({
        %run_scoped3A = tpu.sem_alloc : memref<!tpu.dma_semaphore, #tpu.memory_space<semaphore_mem>>
        %dma_start3A_54 = arith.constant 0 : i32
        %dma_start3A_55 = tpu.memref_slice %arg4[%multiple_of3A_53, %dma_start3A_54] : memref<163840x128xf32, #tpu.memory_space<hbm>> -> memref<160x128xf32, #tpu.memory_space<hbm>>
        %dma_start3A_56 = arith.constant 0 : i32
        %dma_start3A_57 = tpu.memref_slice %arg4[%multiple_of3A_53, %dma_start3A_56] : memref<163840x128xf32, #tpu.memory_space<hbm>> -> memref<160x128xf32, #tpu.memory_space<hbm>>
        tpu.enqueue_dma source(%arg7 : memref<160x128xf32, #tpu.memory_space<vmem>>) target(%dma_start3A_57 : memref<160x128xf32, #tpu.memory_space<hbm>>) target_semaphore(%run_scoped3A : memref<!tpu.dma_semaphore, #tpu.memory_space<semaphore_mem>>)
        %dma_wait3A_58 = arith.constant 0 : i32
        %dma_wait3A_59 = tpu.memref_slice %arg4[%multiple_of3A_53, %dma_wait3A_58] : memref<163840x128xf32, #tpu.memory_space<hbm>> -> memref<160x128xf32, #tpu.memory_space<hbm>>
        %dma_wait3A_60 = arith.constant 0 : i32
        %dma_wait3A_61 = tpu.memref_slice %arg4[%multiple_of3A_53, %dma_wait3A_60] : memref<163840x128xf32, #tpu.memory_space<hbm>> -> memref<160x128xf32, #tpu.memory_space<hbm>>
        tpu.wait_dma2 semaphore(%run_scoped3A : memref<!tpu.dma_semaphore, #tpu.memory_space<semaphore_mem>>) src(%arg7 : memref<160x128xf32, #tpu.memory_space<vmem>>) dst(%dma_wait3A_61 : memref<160x128xf32, #tpu.memory_space<hbm>>)
        tpu.yield
      }) : () -> ()
    }
    %scan3A_13 = arith.constant 16 : i32
    return
  }
}

module attributes {stable_mosaic.version = 14 : i64} {
  func.func @body(%arg0: i32, %arg1: memref<1x1024x128xf32, #tpu.memory_space<vmem>>, %arg2: memref<1x1024x1xf32, #tpu.memory_space<vmem>>, %arg3: memref<1x1x1024xf32, #tpu.memory_space<vmem>>, %arg4: memref<1x32x1024xi32, #tpu.memory_space<vmem>>, %arg5: memref<1024x1024xf32, #tpu.memory_space<vmem>>, %arg6: memref<32x1024xi32, #tpu.memory_space<vmem>>) attributes {dimension_semantics = [#tpu.dimension_semantics<arbitrary>], iteration_bounds = array<i64: 8>, scalar_prefetch = 0 : i64, scratch_operands = 2 : i64, tpu.core_type = #tpu.core_type<tc>, window_params = [{transform_indices = @transform_0, window_bounds = array<i64: 1, 1024, 128>}, {transform_indices = @transform_1, window_bounds = array<i64: 1, 1024, 1>}, {transform_indices = @transform_2, window_bounds = array<i64: 1, 1, 1024>}, {transform_indices = @transform_3, window_bounds = array<i64: 1, 32, 1024>}]} {
    %get3A = arith.constant 0 : index
    %get3A_0 = arith.constant 0 : index
    %get3A_1 = arith.constant 0 : index
    %get3A_2 = vector.load %arg1[%get3A, %get3A_0, %get3A_1] : memref<1x1024x128xf32, #tpu.memory_space<vmem>>, vector<1x1024x128xf32>
    %get3A_3 = vector.shape_cast %get3A_2 : vector<1x1024x128xf32> to vector<1024x128xf32>
    %convert_element_type3A = arith.truncf %get3A_3 : vector<1024x128xf32> to vector<1024x128xbf16>
    %dot_general3A = arith.constant dense<0.000000e+00> : vector<1024x1024xf32>
    %dot_general3A_4 = tpu.matmul %convert_element_type3A, %convert_element_type3A, %dot_general3A {dimension_numbers = #tpu.dot_dimension_numbers<[1], [1], [0], [0], [0, 0, 1, 0], [], []>, transpose_lhs_hint = false} : vector<1024x128xbf16>, vector<1024x128xbf16>, vector<1024x1024xf32> -> vector<1024x1024xf32>
    %mul3A = arith.constant -2.000000e+00 : f32
    %mul3A_5 = vector.broadcast %mul3A : f32 to vector<1024x1024xf32>
    %mul3A_6 = arith.mulf %mul3A_5, %dot_general3A_4 : vector<1024x1024xf32>
    %get3A_7 = arith.constant 0 : index
    %get3A_8 = arith.constant 0 : index
    %get3A_9 = arith.constant 0 : index
    %get3A_10 = vector.load %arg2[%get3A_7, %get3A_8, %get3A_9] : memref<1x1024x1xf32, #tpu.memory_space<vmem>>, vector<1x1024x1xf32>
    %get3A_11 = vector.shape_cast %get3A_10 : vector<1x1024x1xf32> to vector<1024x1xf32>
    %neg3A = arith.constant 0.000000e+00 : f32
    %neg3A_12 = vector.broadcast %neg3A : f32 to vector<1024x1xf32>
    %neg3A_13 = arith.subf %neg3A_12, %get3A_11 : vector<1024x1xf32>
    %sub3A = vector.broadcast %neg3A_13 : vector<1024x1xf32> to vector<1024x1024xf32>
    %sub3A_14 = arith.subf %sub3A, %mul3A_6 : vector<1024x1024xf32>
    %get3A_15 = arith.constant 0 : index
    %get3A_16 = arith.constant 0 : index
    %get3A_17 = arith.constant 0 : index
    %get3A_18 = vector.load %arg3[%get3A_15, %get3A_16, %get3A_17] : memref<1x1x1024xf32, #tpu.memory_space<vmem>>, vector<1x1x1024xf32>
    %get3A_19 = vector.shape_cast %get3A_18 : vector<1x1x1024xf32> to vector<1x1024xf32>
    %sub3A_20 = vector.broadcast %get3A_19 : vector<1x1024xf32> to vector<1024x1024xf32>
    %sub3A_21 = arith.subf %sub3A_14, %sub3A_20 : vector<1024x1024xf32>
    %swap3A = arith.constant 0 : index
    %swap3A_22 = arith.constant 0 : index
    %swap3A_23 = vector.load %arg5[%swap3A, %swap3A_22] : memref<1024x1024xf32, #tpu.memory_space<vmem>>, vector<1024x1024xf32>
    tpu.vector_store %arg5[%swap3A, %swap3A_22], %sub3A_21 {strides = array<i32>} : memref<1024x1024xf32, #tpu.memory_space<vmem>>, vector<1024x1024xf32>,
    %iota3A = tpu.iota {dimensions = array<i32: 0>} : vector<1024x1024xi32>
    %iota3A_24 = tpu.iota {dimensions = array<i32: 0>} : vector<32x1024xi32>
    %scan3A = arith.constant 0xFF800000 : f32
    %scan3A_25 = arith.constant 0 : i32
    %scan3A_26 = arith.constant 20 : i32
    %scan3A_27 = arith.addi %scan3A_25, %scan3A_26 : i32
    %scan3A_28 = arith.constant 1 : i32
    scf.for %scan3A_42 = %scan3A_25 to %scan3A_27 step %scan3A_28  : i32 {
      %get3A_43 = arith.constant 0 : index
      %get3A_44 = arith.constant 0 : index
      %get3A_45 = vector.load %arg5[%get3A_43, %get3A_44] : memref<1024x1024xf32, #tpu.memory_space<vmem>>, vector<1024x1024xf32>
      %reduce_max3A = arith.constant dense<0xFF800000> : vector<1024xf32>
      %reduce_max3A_46 = vector.multi_reduction <maximumf>, %get3A_45, %reduce_max3A [0] : vector<1024x1024xf32> to vector<1024xf32>
      %broadcast_in_dim3A = vector.shape_cast %reduce_max3A_46 : vector<1024xf32> to vector<1x1024xf32>
      %ge3A = vector.broadcast %broadcast_in_dim3A : vector<1x1024xf32> to vector<1024x1024xf32>
      %ge3A_47 = arith.cmpf oge, %get3A_45, %ge3A : vector<1024x1024xf32>
      %jit3A = arith.constant 1024 : i32
      %broadcast_in_dim3A_48 = vector.broadcast %jit3A : i32 to vector<1024x1024xi32>
      %select_n3A = arith.select %ge3A_47, %iota3A, %broadcast_in_dim3A_48 : vector<1024x1024xi1>, vector<1024x1024xi32>
      %reduce_min3A = arith.constant dense<2147483647> : vector<1024xi32>
      %reduce_min3A_49 = vector.multi_reduction <minsi>, %select_n3A, %reduce_min3A [0] : vector<1024x1024xi32> to vector<1024xi32>
      %broadcast_in_dim3A_50 = vector.shape_cast %reduce_min3A_49 : vector<1024xi32> to vector<1x1024xi32>
      %eq3A = vector.broadcast %scan3A_42 : i32 to vector<32x1024xi32>
      %eq3A_51 = arith.cmpi eq, %iota3A_24, %eq3A : vector<32x1024xi32>
      %get3A_52 = arith.constant 0 : index
      %get3A_53 = arith.constant 0 : index
      %get3A_54 = vector.load %arg6[%get3A_52, %get3A_53] : memref<32x1024xi32, #tpu.memory_space<vmem>>, vector<32x1024xi32>
      %broadcast_in_dim3A_55 = vector.shape_cast %broadcast_in_dim3A_50 : vector<1x1024xi32> to vector<1x1024xi32>
      %broadcast_in_dim3A_56 = vector.broadcast %broadcast_in_dim3A_55 : vector<1x1024xi32> to vector<32x1024xi32>
      %select_n3A_57 = arith.select %eq3A_51, %broadcast_in_dim3A_56, %get3A_54 : vector<32x1024xi1>, vector<32x1024xi32>
      %swap3A_58 = arith.constant 0 : index
      %swap3A_59 = arith.constant 0 : index
      %swap3A_60 = vector.load %arg6[%swap3A_58, %swap3A_59] : memref<32x1024xi32, #tpu.memory_space<vmem>>, vector<32x1024xi32>
      tpu.vector_store %arg6[%swap3A_58, %swap3A_59], %select_n3A_57 {strides = array<i32>} : memref<32x1024xi32, #tpu.memory_space<vmem>>, vector<32x1024xi32>,
      %eq3A_61 = vector.broadcast %broadcast_in_dim3A_50 : vector<1x1024xi32> to vector<1024x1024xi32>
      %eq3A_62 = arith.cmpi eq, %iota3A, %eq3A_61 : vector<1024x1024xi32>
      %broadcast_in_dim3A_63 = vector.broadcast %scan3A : f32 to vector<1024x1024xf32>
      %select_n3A_64 = arith.select %eq3A_62, %broadcast_in_dim3A_63, %get3A_45 : vector<1024x1024xi1>, vector<1024x1024xf32>
      %swap3A_65 = arith.constant 0 : index
      %swap3A_66 = arith.constant 0 : index
      %swap3A_67 = vector.load %arg5[%swap3A_65, %swap3A_66] : memref<1024x1024xf32, #tpu.memory_space<vmem>>, vector<1024x1024xf32>
      tpu.vector_store %arg5[%swap3A_65, %swap3A_66], %select_n3A_64 {strides = array<i32>} : memref<1024x1024xf32, #tpu.memory_space<vmem>>, vector<1024x1024xf32>,
    }
    %scan3A_29 = arith.constant 20 : i32
    %get3A_30 = arith.constant 0 : index
    %get3A_31 = arith.constant 0 : index
    %get3A_32 = vector.load %arg6[%get3A_30, %get3A_31] : memref<32x1024xi32, #tpu.memory_space<vmem>>, vector<32x1024xi32>
    %mul3A_33 = arith.constant 1024 : i32
    %mul3A_34 = arith.muli %arg0, %mul3A_33 : i32
    %add3A = vector.broadcast %mul3A_34 : i32 to vector<32x1024xi32>
    %add3A_35 = arith.addi %get3A_32, %add3A : vector<32x1024xi32>
    %swap3A_36 = arith.constant 0 : index
    %swap3A_37 = arith.constant 0 : index
    %swap3A_38 = arith.constant 0 : index
    %swap3A_39 = vector.load %arg4[%swap3A_36, %swap3A_37, %swap3A_38] : memref<1x32x1024xi32, #tpu.memory_space<vmem>>, vector<1x32x1024xi32>
    %swap3A_40 = vector.shape_cast %swap3A_39 : vector<1x32x1024xi32> to vector<32x1024xi32>
    %swap3A_41 = vector.shape_cast %add3A_35 : vector<32x1024xi32> to vector<1x32x1024xi32>
    tpu.vector_store %arg4[%swap3A_36, %swap3A_37, %swap3A_38], %swap3A_41 {strides = array<i32>} : memref<1x32x1024xi32, #tpu.memory_space<vmem>>, vector<1x32x1024xi32>,
    return
  }
  func.func @transform_0(%arg0: i32) -> (i32, i32, i32) {
    %c0_i32 = arith.constant 0 : i32
    %c0_i32_0 = arith.constant 0 : i32
    %c0_i32_1 = arith.constant 0 : i32
    return %arg0, %c0_i32, %c0_i32_0 : i32, i32, i32
  }
  func.func @transform_1(%arg0: i32) -> (i32, i32, i32) {
    %c0_i32 = arith.constant 0 : i32
    %c0_i32_0 = arith.constant 0 : i32
    %c0_i32_1 = arith.constant 0 : i32
    return %arg0, %c0_i32, %c0_i32_0 : i32, i32, i32
  }
  func.func @transform_2(%arg0: i32) -> (i32, i32, i32) {
    %c0_i32 = arith.constant 0 : i32
    %c0_i32_0 = arith.constant 0 : i32
    %c0_i32_1 = arith.constant 0 : i32
    return %arg0, %c0_i32, %c0_i32_0 : i32, i32, i32
  }
  func.func @transform_3(%arg0: i32) -> (i32, i32, i32) {
    %c0_i32 = arith.constant 0 : i32
    %c0_i32_0 = arith.constant 0 : i32
    %c0_i32_1 = arith.constant 0 : i32
    return %arg0, %c0_i32, %c0_i32_0 : i32, i32, i32
  }
}

module attributes {stable_mosaic.version = 14 : i64} {
  func.func @body(%arg0: i32, %arg1: memref<2560x128xf32, #tpu.memory_space<vmem>>, %arg2: memref<128x128xf32, #tpu.memory_space<vmem>>, %arg3: memref<256x128xbf16, #tpu.memory_space<vmem>>, %arg4: memref<128x128xf32, #tpu.memory_space<vmem>>, %arg5: memref<2560x128xf32, #tpu.memory_space<vmem>>) attributes {dimension_semantics = [#tpu.dimension_semantics<arbitrary>], iteration_bounds = array<i64: 64>, scalar_prefetch = 0 : i64, scratch_operands = 0 : i64, tpu.core_type = #tpu.core_type<tc>, window_params = [{transform_indices = @transform_0, window_bounds = array<i64: 2560, 128>}, {transform_indices = @transform_1, window_bounds = array<i64: 128, 128>}, {pipeline_mode = #tpu.pipeline_mode<synchronous>, transform_indices = @transform_2, window_bounds = array<i64: 256, 128>}, {transform_indices = @transform_3, window_bounds = array<i64: 128, 128>}, {transform_indices = @transform_4, window_bounds = array<i64: 2560, 128>}]} {
    %get3A = arith.constant 0 : index
    %get3A_0 = arith.constant 0 : index
    %get3A_1 = vector.load %arg2[%get3A, %get3A_0] : memref<128x128xf32, #tpu.memory_space<vmem>>, vector<128x128xf32>
    %get3A_2 = arith.constant 0 : index
    %get3A_3 = arith.constant 0 : index
    %get3A_4 = vector.load %arg1[%get3A_2, %get3A_3] : memref<2560x128xf32, #tpu.memory_space<vmem>>, vector<2560x128xf32>
    %reshape3A = vector.shape_cast %get3A_4 : vector<2560x128xf32> to vector<128x20x128xf32>
    %broadcast_in_dim3A = vector.shape_cast %get3A_1 : vector<128x128xf32> to vector<128x1x128xf32>
    %sub3A = vector.broadcast %broadcast_in_dim3A : vector<128x1x128xf32> to vector<128x20x128xf32>
    %sub3A_5 = arith.subf %reshape3A, %sub3A : vector<128x20x128xf32>
    %convert_element_type3A = arith.truncf %sub3A_5 : vector<128x20x128xf32> to vector<128x20x128xbf16>
    %reshape3A_6 = vector.shape_cast %convert_element_type3A : vector<128x20x128xbf16> to vector<2560x128xbf16>
    %convert_element_type3A_7 = arith.truncf %get3A_1 : vector<128x128xf32> to vector<128x128xbf16>
    %broadcast_in_dim3A_8 = vector.shape_cast %convert_element_type3A_7 : vector<128x128xbf16> to vector<128x1x128xbf16>
    %broadcast_in_dim3A_9 = vector.shape_cast %broadcast_in_dim3A_8 : vector<128x1x128xbf16> to vector<128x1x128xbf16>
    %broadcast_in_dim3A_10 = vector.broadcast %broadcast_in_dim3A_9 : vector<128x1x128xbf16> to vector<128x20x128xbf16>
    %reshape3A_11 = vector.shape_cast %broadcast_in_dim3A_10 : vector<128x20x128xbf16> to vector<2560x128xbf16>
    %concatenate3A = tpu.concatenate %reshape3A_6, %reshape3A_11 in 1 : vector<2560x128xbf16>, vector<2560x128xbf16> -> vector<2560x256xbf16>
    %get3A_12 = arith.constant 0 : index
    %get3A_13 = arith.constant 0 : index
    %get3A_14 = vector.load %arg3[%get3A_12, %get3A_13] : memref<256x128xbf16, #tpu.memory_space<vmem>>, vector<256x128xbf16>
    %dot_general3A = arith.constant dense<0.000000e+00> : vector<2560x128xf32>
    %dot_general3A_15 = tpu.matmul %concatenate3A, %get3A_14, %dot_general3A {dimension_numbers = #tpu.dot_dimension_numbers<[1], [0], [0], [1], [0, 0, 1, 1], [], []>, transpose_lhs_hint = false} : vector<2560x256xbf16>, vector<256x128xbf16>, vector<2560x128xf32> -> vector<2560x128xf32>
    %reshape3A_16 = vector.shape_cast %dot_general3A_15 : vector<2560x128xf32> to vector<128x20x128xf32>
    %reduce_max3A = arith.constant dense<0xFF800000> : vector<128x128xf32>
    %reduce_max3A_17 = vector.multi_reduction <maximumf>, %reshape3A_16, %reduce_max3A [1] : vector<128x20x128xf32> to vector<128x128xf32>
    %swap3A = arith.constant 0 : index
    %swap3A_18 = arith.constant 0 : index
    %swap3A_19 = vector.load %arg4[%swap3A, %swap3A_18] : memref<128x128xf32, #tpu.memory_space<vmem>>, vector<128x128xf32>
    tpu.vector_store %arg4[%swap3A, %swap3A_18], %reduce_max3A_17 {strides = array<i32>} : memref<128x128xf32, #tpu.memory_space<vmem>>, vector<128x128xf32>,
    %swap3A_20 = arith.constant 0 : index
    %swap3A_21 = arith.constant 0 : index
    %swap3A_22 = vector.load %arg5[%swap3A_20, %swap3A_21] : memref<2560x128xf32, #tpu.memory_space<vmem>>, vector<2560x128xf32>
    tpu.vector_store %arg5[%swap3A_20, %swap3A_21], %dot_general3A_15 {strides = array<i32>} : memref<2560x128xf32, #tpu.memory_space<vmem>>, vector<2560x128xf32>,
    return
  }
  func.func @transform_0(%arg0: i32) -> (i32, i32) {
    %c0_i32 = arith.constant 0 : i32
    %c0_i32_0 = arith.constant 0 : i32
    return %arg0, %c0_i32 : i32, i32
  }
  func.func @transform_1(%arg0: i32) -> (i32, i32) {
    %c0_i32 = arith.constant 0 : i32
    %c0_i32_0 = arith.constant 0 : i32
    return %arg0, %c0_i32 : i32, i32
  }
  func.func @transform_2(%arg0: i32) -> (i32, i32) {
    %c0_i32 = arith.constant 0 : i32
    %c0_i32_0 = arith.constant 0 : i32
    %c0_i32_1 = arith.constant 0 : i32
    return %c0_i32, %c0_i32_0 : i32, i32
  }
  func.func @transform_3(%arg0: i32) -> (i32, i32) {
    %c0_i32 = arith.constant 0 : i32
    %c0_i32_0 = arith.constant 0 : i32
    return %arg0, %c0_i32 : i32, i32
  }
  func.func @transform_4(%arg0: i32) -> (i32, i32) {
    %c0_i32 = arith.constant 0 : i32
    %c0_i32_0 = arith.constant 0 : i32
    return %arg0, %c0_i32 : i32, i32
  }
}

module attributes {stable_mosaic.version = 14 : i64} {
  func.func @body(%arg0: memref<8192x128xf32, #tpu.memory_space<vmem>>, %arg1: memref<1x128xf32, #tpu.memory_space<vmem>>, %arg2: memref<1x128xf32, #tpu.memory_space<vmem>>, %arg3: memref<1x128xf32, #tpu.memory_space<vmem>>, %arg4: memref<1x128xf32, #tpu.memory_space<vmem>>, %arg5: memref<8192x128xf32, #tpu.memory_space<vmem>>) attributes {dimension_semantics = [], scalar_prefetch = 0 : i64, scratch_operands = 0 : i64, tpu.core_type = #tpu.core_type<tc>} {
    %get3A = arith.constant 0 : index
    %get3A_0 = arith.constant 0 : index
    %get3A_1 = vector.load %arg2[%get3A, %get3A_0] : memref<1x128xf32, #tpu.memory_space<vmem>>, vector<1x128xf32>
    %add3A = arith.constant 9.99999974E-6 : f32
    %add3A_2 = vector.broadcast %add3A : f32 to vector<1x128xf32>
    %add3A_3 = arith.addf %get3A_1, %add3A_2 : vector<1x128xf32>
    %sqrt3A = math.sqrt %add3A_3 : vector<1x128xf32>
    %get3A_4 = arith.constant 0 : index
    %get3A_5 = arith.constant 0 : index
    %get3A_6 = vector.load %arg0[%get3A_4, %get3A_5] : memref<8192x128xf32, #tpu.memory_space<vmem>>, vector<8192x128xf32>
    %get3A_7 = arith.constant 0 : index
    %get3A_8 = arith.constant 0 : index
    %get3A_9 = vector.load %arg1[%get3A_7, %get3A_8] : memref<1x128xf32, #tpu.memory_space<vmem>>, vector<1x128xf32>
    %sub3A = vector.broadcast %get3A_9 : vector<1x128xf32> to vector<8192x128xf32>
    %sub3A_10 = arith.subf %get3A_6, %sub3A : vector<8192x128xf32>
    %div3A = vector.broadcast %sqrt3A : vector<1x128xf32> to vector<8192x128xf32>
    %div3A_11 = arith.divf %sub3A_10, %div3A : vector<8192x128xf32>
    %get3A_12 = arith.constant 0 : index
    %get3A_13 = arith.constant 0 : index
    %get3A_14 = vector.load %arg3[%get3A_12, %get3A_13] : memref<1x128xf32, #tpu.memory_space<vmem>>, vector<1x128xf32>
    %mul3A = vector.broadcast %get3A_14 : vector<1x128xf32> to vector<8192x128xf32>
    %mul3A_15 = arith.mulf %div3A_11, %mul3A : vector<8192x128xf32>
    %get3A_16 = arith.constant 0 : index
    %get3A_17 = arith.constant 0 : index
    %get3A_18 = vector.load %arg4[%get3A_16, %get3A_17] : memref<1x128xf32, #tpu.memory_space<vmem>>, vector<1x128xf32>
    %add3A_19 = vector.broadcast %get3A_18 : vector<1x128xf32> to vector<8192x128xf32>
    %add3A_20 = arith.addf %mul3A_15, %add3A_19 : vector<8192x128xf32>
    %ge3A = arith.constant 0.000000e+00 : f32
    %ge3A_21 = vector.broadcast %ge3A : f32 to vector<8192x128xf32>
    %ge3A_22 = arith.cmpf oge, %add3A_20, %ge3A_21 : vector<8192x128xf32>
    %mul3A_23 = arith.constant 2.000000e-01 : f32
    %mul3A_24 = vector.broadcast %mul3A_23 : f32 to vector<8192x128xf32>
    %mul3A_25 = arith.mulf %mul3A_24, %add3A_20 : vector<8192x128xf32>
    %select_n3A = arith.select %ge3A_22, %add3A_20, %mul3A_25 : vector<8192x128xi1>, vector<8192x128xf32>
    %swap3A = arith.constant 0 : index
    %swap3A_26 = arith.constant 0 : index
    %swap3A_27 = vector.load %arg5[%swap3A, %swap3A_26] : memref<8192x128xf32, #tpu.memory_space<vmem>>, vector<8192x128xf32>
    tpu.vector_store %arg5[%swap3A, %swap3A_26], %select_n3A {strides = array<i32>} : memref<8192x128xf32, #tpu.memory_space<vmem>>, vector<8192x128xf32>,
    return
  }
}

module attributes {stable_mosaic.version = 14 : i64} {
  func.func @body(%arg0: i32, %arg1: memref<2560x128xf32, #tpu.memory_space<vmem>>, %arg2: memref<128x128xf32, #tpu.memory_space<vmem>>, %arg3: memref<256x256xbf16, #tpu.memory_space<vmem>>, %arg4: memref<128x256xf32, #tpu.memory_space<vmem>>, %arg5: memref<2560x256xf32, #tpu.memory_space<vmem>>) attributes {dimension_semantics = [#tpu.dimension_semantics<arbitrary>], iteration_bounds = array<i64: 64>, scalar_prefetch = 0 : i64, scratch_operands = 0 : i64, tpu.core_type = #tpu.core_type<tc>, window_params = [{transform_indices = @transform_0, window_bounds = array<i64: 2560, 128>}, {transform_indices = @transform_1, window_bounds = array<i64: 128, 128>}, {pipeline_mode = #tpu.pipeline_mode<synchronous>, transform_indices = @transform_2, window_bounds = array<i64: 256, 256>}, {transform_indices = @transform_3, window_bounds = array<i64: 128, 256>}, {transform_indices = @transform_4, window_bounds = array<i64: 2560, 256>}]} {
    %get3A = arith.constant 0 : index
    %get3A_0 = arith.constant 0 : index
    %get3A_1 = vector.load %arg2[%get3A, %get3A_0] : memref<128x128xf32, #tpu.memory_space<vmem>>, vector<128x128xf32>
    %get3A_2 = arith.constant 0 : index
    %get3A_3 = arith.constant 0 : index
    %get3A_4 = vector.load %arg1[%get3A_2, %get3A_3] : memref<2560x128xf32, #tpu.memory_space<vmem>>, vector<2560x128xf32>
    %reshape3A = vector.shape_cast %get3A_4 : vector<2560x128xf32> to vector<128x20x128xf32>
    %broadcast_in_dim3A = vector.shape_cast %get3A_1 : vector<128x128xf32> to vector<128x1x128xf32>
    %sub3A = vector.broadcast %broadcast_in_dim3A : vector<128x1x128xf32> to vector<128x20x128xf32>
    %sub3A_5 = arith.subf %reshape3A, %sub3A : vector<128x20x128xf32>
    %convert_element_type3A = arith.truncf %sub3A_5 : vector<128x20x128xf32> to vector<128x20x128xbf16>
    %reshape3A_6 = vector.shape_cast %convert_element_type3A : vector<128x20x128xbf16> to vector<2560x128xbf16>
    %convert_element_type3A_7 = arith.truncf %get3A_1 : vector<128x128xf32> to vector<128x128xbf16>
    %broadcast_in_dim3A_8 = vector.shape_cast %convert_element_type3A_7 : vector<128x128xbf16> to vector<128x1x128xbf16>
    %broadcast_in_dim3A_9 = vector.shape_cast %broadcast_in_dim3A_8 : vector<128x1x128xbf16> to vector<128x1x128xbf16>
    %broadcast_in_dim3A_10 = vector.broadcast %broadcast_in_dim3A_9 : vector<128x1x128xbf16> to vector<128x20x128xbf16>
    %reshape3A_11 = vector.shape_cast %broadcast_in_dim3A_10 : vector<128x20x128xbf16> to vector<2560x128xbf16>
    %concatenate3A = tpu.concatenate %reshape3A_6, %reshape3A_11 in 1 : vector<2560x128xbf16>, vector<2560x128xbf16> -> vector<2560x256xbf16>
    %get3A_12 = arith.constant 0 : index
    %get3A_13 = arith.constant 0 : index
    %get3A_14 = vector.load %arg3[%get3A_12, %get3A_13] : memref<256x256xbf16, #tpu.memory_space<vmem>>, vector<256x256xbf16>
    %dot_general3A = arith.constant dense<0.000000e+00> : vector<2560x256xf32>
    %dot_general3A_15 = tpu.matmul %concatenate3A, %get3A_14, %dot_general3A {dimension_numbers = #tpu.dot_dimension_numbers<[1], [0], [0], [1], [0, 0, 1, 1], [], []>, transpose_lhs_hint = false} : vector<2560x256xbf16>, vector<256x256xbf16>, vector<2560x256xf32> -> vector<2560x256xf32>
    %reshape3A_16 = vector.shape_cast %dot_general3A_15 : vector<2560x256xf32> to vector<128x20x256xf32>
    %reduce_max3A = arith.constant dense<0xFF800000> : vector<128x256xf32>
    %reduce_max3A_17 = vector.multi_reduction <maximumf>, %reshape3A_16, %reduce_max3A [1] : vector<128x20x256xf32> to vector<128x256xf32>
    %swap3A = arith.constant 0 : index
    %swap3A_18 = arith.constant 0 : index
    %swap3A_19 = vector.load %arg4[%swap3A, %swap3A_18] : memref<128x256xf32, #tpu.memory_space<vmem>>, vector<128x256xf32>
    tpu.vector_store %arg4[%swap3A, %swap3A_18], %reduce_max3A_17 {strides = array<i32>} : memref<128x256xf32, #tpu.memory_space<vmem>>, vector<128x256xf32>,
    %swap3A_20 = arith.constant 0 : index
    %swap3A_21 = arith.constant 0 : index
    %swap3A_22 = vector.load %arg5[%swap3A_20, %swap3A_21] : memref<2560x256xf32, #tpu.memory_space<vmem>>, vector<2560x256xf32>
    tpu.vector_store %arg5[%swap3A_20, %swap3A_21], %dot_general3A_15 {strides = array<i32>} : memref<2560x256xf32, #tpu.memory_space<vmem>>, vector<2560x256xf32>,
    return
  }
  func.func @transform_0(%arg0: i32) -> (i32, i32) {
    %c0_i32 = arith.constant 0 : i32
    %c0_i32_0 = arith.constant 0 : i32
    return %arg0, %c0_i32 : i32, i32
  }
  func.func @transform_1(%arg0: i32) -> (i32, i32) {
    %c0_i32 = arith.constant 0 : i32
    %c0_i32_0 = arith.constant 0 : i32
    return %arg0, %c0_i32 : i32, i32
  }
  func.func @transform_2(%arg0: i32) -> (i32, i32) {
    %c0_i32 = arith.constant 0 : i32
    %c0_i32_0 = arith.constant 0 : i32
    %c0_i32_1 = arith.constant 0 : i32
    return %c0_i32, %c0_i32_0 : i32, i32
  }
  func.func @transform_3(%arg0: i32) -> (i32, i32) {
    %c0_i32 = arith.constant 0 : i32
    %c0_i32_0 = arith.constant 0 : i32
    return %arg0, %c0_i32 : i32, i32
  }
  func.func @transform_4(%arg0: i32) -> (i32, i32) {
    %c0_i32 = arith.constant 0 : i32
    %c0_i32_0 = arith.constant 0 : i32
    return %arg0, %c0_i32 : i32, i32
  }
}

module attributes {stable_mosaic.version = 14 : i64} {
  func.func @body(%arg0: memref<8192x256xf32, #tpu.memory_space<vmem>>, %arg1: memref<1x256xf32, #tpu.memory_space<vmem>>, %arg2: memref<1x256xf32, #tpu.memory_space<vmem>>, %arg3: memref<1x256xf32, #tpu.memory_space<vmem>>, %arg4: memref<1x256xf32, #tpu.memory_space<vmem>>, %arg5: memref<8192x256xf32, #tpu.memory_space<vmem>>) attributes {dimension_semantics = [], scalar_prefetch = 0 : i64, scratch_operands = 0 : i64, tpu.core_type = #tpu.core_type<tc>} {
    %get3A = arith.constant 0 : index
    %get3A_0 = arith.constant 0 : index
    %get3A_1 = vector.load %arg2[%get3A, %get3A_0] : memref<1x256xf32, #tpu.memory_space<vmem>>, vector<1x256xf32>
    %add3A = arith.constant 9.99999974E-6 : f32
    %add3A_2 = vector.broadcast %add3A : f32 to vector<1x256xf32>
    %add3A_3 = arith.addf %get3A_1, %add3A_2 : vector<1x256xf32>
    %sqrt3A = math.sqrt %add3A_3 : vector<1x256xf32>
    %get3A_4 = arith.constant 0 : index
    %get3A_5 = arith.constant 0 : index
    %get3A_6 = vector.load %arg0[%get3A_4, %get3A_5] : memref<8192x256xf32, #tpu.memory_space<vmem>>, vector<8192x256xf32>
    %get3A_7 = arith.constant 0 : index
    %get3A_8 = arith.constant 0 : index
    %get3A_9 = vector.load %arg1[%get3A_7, %get3A_8] : memref<1x256xf32, #tpu.memory_space<vmem>>, vector<1x256xf32>
    %sub3A = vector.broadcast %get3A_9 : vector<1x256xf32> to vector<8192x256xf32>
    %sub3A_10 = arith.subf %get3A_6, %sub3A : vector<8192x256xf32>
    %div3A = vector.broadcast %sqrt3A : vector<1x256xf32> to vector<8192x256xf32>
    %div3A_11 = arith.divf %sub3A_10, %div3A : vector<8192x256xf32>
    %get3A_12 = arith.constant 0 : index
    %get3A_13 = arith.constant 0 : index
    %get3A_14 = vector.load %arg3[%get3A_12, %get3A_13] : memref<1x256xf32, #tpu.memory_space<vmem>>, vector<1x256xf32>
    %mul3A = vector.broadcast %get3A_14 : vector<1x256xf32> to vector<8192x256xf32>
    %mul3A_15 = arith.mulf %div3A_11, %mul3A : vector<8192x256xf32>
    %get3A_16 = arith.constant 0 : index
    %get3A_17 = arith.constant 0 : index
    %get3A_18 = vector.load %arg4[%get3A_16, %get3A_17] : memref<1x256xf32, #tpu.memory_space<vmem>>, vector<1x256xf32>
    %add3A_19 = vector.broadcast %get3A_18 : vector<1x256xf32> to vector<8192x256xf32>
    %add3A_20 = arith.addf %mul3A_15, %add3A_19 : vector<8192x256xf32>
    %ge3A = arith.constant 0.000000e+00 : f32
    %ge3A_21 = vector.broadcast %ge3A : f32 to vector<8192x256xf32>
    %ge3A_22 = arith.cmpf oge, %add3A_20, %ge3A_21 : vector<8192x256xf32>
    %mul3A_23 = arith.constant 2.000000e-01 : f32
    %mul3A_24 = vector.broadcast %mul3A_23 : f32 to vector<8192x256xf32>
    %mul3A_25 = arith.mulf %mul3A_24, %add3A_20 : vector<8192x256xf32>
    %select_n3A = arith.select %ge3A_22, %add3A_20, %mul3A_25 : vector<8192x256xi1>, vector<8192x256xf32>
    %swap3A = arith.constant 0 : index
    %swap3A_26 = arith.constant 0 : index
    %swap3A_27 = vector.load %arg5[%swap3A, %swap3A_26] : memref<8192x256xf32, #tpu.memory_space<vmem>>, vector<8192x256xf32>
    tpu.vector_store %arg5[%swap3A, %swap3A_26], %select_n3A {strides = array<i32>} : memref<8192x256xf32, #tpu.memory_space<vmem>>, vector<8192x256xf32>,
    return
  }
}

module attributes {stable_mosaic.version = 14 : i64} {
  func.func @body(%arg0: memref<8192x128xf32, #tpu.memory_space<vmem>>, %arg1: memref<8192x128xf32, #tpu.memory_space<vmem>>, %arg2: memref<8192x128xf32, #tpu.memory_space<vmem>>, %arg3: memref<8192x256xf32, #tpu.memory_space<vmem>>, %arg4: memref<128x512xbf16, #tpu.memory_space<vmem>>, %arg5: memref<128x512xbf16, #tpu.memory_space<vmem>>, %arg6: memref<128x512xbf16, #tpu.memory_space<vmem>>, %arg7: memref<256x512xbf16, #tpu.memory_space<vmem>>, %arg8: memref<1x512xf32, #tpu.memory_space<vmem>>, %arg9: memref<1x512xf32, #tpu.memory_space<vmem>>, %arg10: memref<512x256xbf16, #tpu.memory_space<vmem>>, %arg11: memref<1x256xf32, #tpu.memory_space<vmem>>, %arg12: memref<1x256xf32, #tpu.memory_space<vmem>>, %arg13: memref<1x256xf32, #tpu.memory_space<vmem>>, %arg14: memref<256x128xbf16, #tpu.memory_space<vmem>>, %arg15: memref<1x128xf32, #tpu.memory_space<vmem>>, %arg16: memref<1x128xf32, #tpu.memory_space<vmem>>, %arg17: memref<1x128xf32, #tpu.memory_space<vmem>>, %arg18: memref<128x40xbf16, #tpu.memory_space<vmem>>, %arg19: memref<1x40xf32, #tpu.memory_space<vmem>>, %arg20: memref<8x40xf32, #tpu.memory_space<vmem>>) attributes {dimension_semantics = [], scalar_prefetch = 0 : i64, scratch_operands = 0 : i64, tpu.core_type = #tpu.core_type<tc>} {
    %get3A = arith.constant 0 : index
    %get3A_0 = arith.constant 0 : index
    %get3A_1 = vector.load %arg0[%get3A, %get3A_0] : memref<8192x128xf32, #tpu.memory_space<vmem>>, vector<8192x128xf32>
    %convert_element_type3A = arith.truncf %get3A_1 : vector<8192x128xf32> to vector<8192x128xbf16>
    %get3A_2 = arith.constant 0 : index
    %get3A_3 = arith.constant 0 : index
    %get3A_4 = vector.load %arg4[%get3A_2, %get3A_3] : memref<128x512xbf16, #tpu.memory_space<vmem>>, vector<128x512xbf16>
    %dot_general3A = arith.constant dense<0.000000e+00> : vector<8192x512xf32>
    %dot_general3A_5 = tpu.matmul %convert_element_type3A, %get3A_4, %dot_general3A {dimension_numbers = #tpu.dot_dimension_numbers<[1], [0], [0], [1], [0, 0, 1, 1], [], []>, transpose_lhs_hint = false} : vector<8192x128xbf16>, vector<128x512xbf16>, vector<8192x512xf32> -> vector<8192x512xf32>
    %get3A_6 = arith.constant 0 : index
    %get3A_7 = arith.constant 0 : index
    %get3A_8 = vector.load %arg1[%get3A_6, %get3A_7] : memref<8192x128xf32, #tpu.memory_space<vmem>>, vector<8192x128xf32>
    %convert_element_type3A_9 = arith.truncf %get3A_8 : vector<8192x128xf32> to vector<8192x128xbf16>
    %get3A_10 = arith.constant 0 : index
    %get3A_11 = arith.constant 0 : index
    %get3A_12 = vector.load %arg5[%get3A_10, %get3A_11] : memref<128x512xbf16, #tpu.memory_space<vmem>>, vector<128x512xbf16>
    %dot_general3A_13 = arith.constant dense<0.000000e+00> : vector<8192x512xf32>
    %dot_general3A_14 = tpu.matmul %convert_element_type3A_9, %get3A_12, %dot_general3A_13 {dimension_numbers = #tpu.dot_dimension_numbers<[1], [0], [0], [1], [0, 0, 1, 1], [], []>, transpose_lhs_hint = false} : vector<8192x128xbf16>, vector<128x512xbf16>, vector<8192x512xf32> -> vector<8192x512xf32>
    %add3A = arith.addf %dot_general3A_5, %dot_general3A_14 : vector<8192x512xf32>
    %get3A_15 = arith.constant 0 : index
    %get3A_16 = arith.constant 0 : index
    %get3A_17 = vector.load %arg2[%get3A_15, %get3A_16] : memref<8192x128xf32, #tpu.memory_space<vmem>>, vector<8192x128xf32>
    %convert_element_type3A_18 = arith.truncf %get3A_17 : vector<8192x128xf32> to vector<8192x128xbf16>
    %get3A_19 = arith.constant 0 : index
    %get3A_20 = arith.constant 0 : index
    %get3A_21 = vector.load %arg6[%get3A_19, %get3A_20] : memref<128x512xbf16, #tpu.memory_space<vmem>>, vector<128x512xbf16>
    %dot_general3A_22 = arith.constant dense<0.000000e+00> : vector<8192x512xf32>
    %dot_general3A_23 = tpu.matmul %convert_element_type3A_18, %get3A_21, %dot_general3A_22 {dimension_numbers = #tpu.dot_dimension_numbers<[1], [0], [0], [1], [0, 0, 1, 1], [], []>, transpose_lhs_hint = false} : vector<8192x128xbf16>, vector<128x512xbf16>, vector<8192x512xf32> -> vector<8192x512xf32>
    %add3A_24 = arith.addf %add3A, %dot_general3A_23 : vector<8192x512xf32>
    %get3A_25 = arith.constant 0 : index
    %get3A_26 = arith.constant 0 : index
    %get3A_27 = vector.load %arg3[%get3A_25, %get3A_26] : memref<8192x256xf32, #tpu.memory_space<vmem>>, vector<8192x256xf32>
    %convert_element_type3A_28 = arith.truncf %get3A_27 : vector<8192x256xf32> to vector<8192x256xbf16>
    %get3A_29 = arith.constant 0 : index
    %get3A_30 = arith.constant 0 : index
    %get3A_31 = vector.load %arg7[%get3A_29, %get3A_30] : memref<256x512xbf16, #tpu.memory_space<vmem>>, vector<256x512xbf16>
    %dot_general3A_32 = arith.constant dense<0.000000e+00> : vector<8192x512xf32>
    %dot_general3A_33 = tpu.matmul %convert_element_type3A_28, %get3A_31, %dot_general3A_32 {dimension_numbers = #tpu.dot_dimension_numbers<[1], [0], [0], [1], [0, 0, 1, 1], [], []>, transpose_lhs_hint = false} : vector<8192x256xbf16>, vector<256x512xbf16>, vector<8192x512xf32> -> vector<8192x512xf32>
    %add3A_34 = arith.addf %add3A_24, %dot_general3A_33 : vector<8192x512xf32>
    %reduce_sum3A = arith.constant dense<0.000000e+00> : vector<512xf32>
    %reduce_sum3A_35 = vector.multi_reduction <add>, %add3A_34, %reduce_sum3A [0] : vector<8192x512xf32> to vector<512xf32>
    %broadcast_in_dim3A = vector.shape_cast %reduce_sum3A_35 : vector<512xf32> to vector<1x512xf32>
    %div3A = arith.constant 8.192000e+03 : f32
    %div3A_36 = vector.broadcast %div3A : f32 to vector<1x512xf32>
    %div3A_37 = arith.divf %broadcast_in_dim3A, %div3A_36 : vector<1x512xf32>
    %mul3A = arith.mulf %add3A_34, %add3A_34 : vector<8192x512xf32>
    %reduce_sum3A_38 = arith.constant dense<0.000000e+00> : vector<512xf32>
    %reduce_sum3A_39 = vector.multi_reduction <add>, %mul3A, %reduce_sum3A_38 [0] : vector<8192x512xf32> to vector<512xf32>
    %broadcast_in_dim3A_40 = vector.shape_cast %reduce_sum3A_39 : vector<512xf32> to vector<1x512xf32>
    %div3A_41 = arith.constant 8.192000e+03 : f32
    %div3A_42 = vector.broadcast %div3A_41 : f32 to vector<1x512xf32>
    %div3A_43 = arith.divf %broadcast_in_dim3A_40, %div3A_42 : vector<1x512xf32>
    %mul3A_44 = arith.mulf %div3A_37, %div3A_37 : vector<1x512xf32>
    %sub3A = arith.subf %div3A_43, %mul3A_44 : vector<1x512xf32>
    %sub3A_45 = vector.broadcast %div3A_37 : vector<1x512xf32> to vector<8192x512xf32>
    %sub3A_46 = arith.subf %add3A_34, %sub3A_45 : vector<8192x512xf32>
    %add3A_47 = arith.constant 9.99999974E-6 : f32
    %add3A_48 = vector.broadcast %add3A_47 : f32 to vector<1x512xf32>
    %add3A_49 = arith.addf %sub3A, %add3A_48 : vector<1x512xf32>
    %sqrt3A = math.sqrt %add3A_49 : vector<1x512xf32>
    %div3A_50 = vector.broadcast %sqrt3A : vector<1x512xf32> to vector<8192x512xf32>
    %div3A_51 = arith.divf %sub3A_46, %div3A_50 : vector<8192x512xf32>
    %get3A_52 = arith.constant 0 : index
    %get3A_53 = arith.constant 0 : index
    %get3A_54 = vector.load %arg8[%get3A_52, %get3A_53] : memref<1x512xf32, #tpu.memory_space<vmem>>, vector<1x512xf32>
    %mul3A_55 = vector.broadcast %get3A_54 : vector<1x512xf32> to vector<8192x512xf32>
    %mul3A_56 = arith.mulf %div3A_51, %mul3A_55 : vector<8192x512xf32>
    %get3A_57 = arith.constant 0 : index
    %get3A_58 = arith.constant 0 : index
    %get3A_59 = vector.load %arg9[%get3A_57, %get3A_58] : memref<1x512xf32, #tpu.memory_space<vmem>>, vector<1x512xf32>
    %add3A_60 = vector.broadcast %get3A_59 : vector<1x512xf32> to vector<8192x512xf32>
    %add3A_61 = arith.addf %mul3A_56, %add3A_60 : vector<8192x512xf32>
    %ge3A = arith.constant 0.000000e+00 : f32
    %ge3A_62 = vector.broadcast %ge3A : f32 to vector<8192x512xf32>
    %ge3A_63 = arith.cmpf oge, %add3A_61, %ge3A_62 : vector<8192x512xf32>
    %mul3A_64 = arith.constant 2.000000e-01 : f32
    %mul3A_65 = vector.broadcast %mul3A_64 : f32 to vector<8192x512xf32>
    %mul3A_66 = arith.mulf %mul3A_65, %add3A_61 : vector<8192x512xf32>
    %select_n3A = arith.select %ge3A_63, %add3A_61, %mul3A_66 : vector<8192x512xi1>, vector<8192x512xf32>
    %slice3A = vector.extract_strided_slice %select_n3A {offsets = [0, 0], sizes = [1024, 512], strides = [1, 1]} : vector<8192x512xf32> to vector<1024x512xf32>
    %reduce_max3A = arith.constant dense<0xFF800000> : vector<512xf32>
    %reduce_max3A_67 = vector.multi_reduction <maximumf>, %slice3A, %reduce_max3A [0] : vector<1024x512xf32> to vector<512xf32>
    %broadcast_in_dim3A_68 = vector.shape_cast %reduce_max3A_67 : vector<512xf32> to vector<1x512xf32>
    %slice3A_69 = vector.extract_strided_slice %select_n3A {offsets = [1024, 0], sizes = [1024, 512], strides = [1, 1]} : vector<8192x512xf32> to vector<1024x512xf32>
    %reduce_max3A_70 = arith.constant dense<0xFF800000> : vector<512xf32>
    %reduce_max3A_71 = vector.multi_reduction <maximumf>, %slice3A_69, %reduce_max3A_70 [0] : vector<1024x512xf32> to vector<512xf32>
    %broadcast_in_dim3A_72 = vector.shape_cast %reduce_max3A_71 : vector<512xf32> to vector<1x512xf32>
    %slice3A_73 = vector.extract_strided_slice %select_n3A {offsets = [2048, 0], sizes = [1024, 512], strides = [1, 1]} : vector<8192x512xf32> to vector<1024x512xf32>
    %reduce_max3A_74 = arith.constant dense<0xFF800000> : vector<512xf32>
    %reduce_max3A_75 = vector.multi_reduction <maximumf>, %slice3A_73, %reduce_max3A_74 [0] : vector<1024x512xf32> to vector<512xf32>
    %broadcast_in_dim3A_76 = vector.shape_cast %reduce_max3A_75 : vector<512xf32> to vector<1x512xf32>
    %slice3A_77 = vector.extract_strided_slice %select_n3A {offsets = [3072, 0], sizes = [1024, 512], strides = [1, 1]} : vector<8192x512xf32> to vector<1024x512xf32>
    %reduce_max3A_78 = arith.constant dense<0xFF800000> : vector<512xf32>
    %reduce_max3A_79 = vector.multi_reduction <maximumf>, %slice3A_77, %reduce_max3A_78 [0] : vector<1024x512xf32> to vector<512xf32>
    %broadcast_in_dim3A_80 = vector.shape_cast %reduce_max3A_79 : vector<512xf32> to vector<1x512xf32>
    %slice3A_81 = vector.extract_strided_slice %select_n3A {offsets = [4096, 0], sizes = [1024, 512], strides = [1, 1]} : vector<8192x512xf32> to vector<1024x512xf32>
    %reduce_max3A_82 = arith.constant dense<0xFF800000> : vector<512xf32>
    %reduce_max3A_83 = vector.multi_reduction <maximumf>, %slice3A_81, %reduce_max3A_82 [0] : vector<1024x512xf32> to vector<512xf32>
    %broadcast_in_dim3A_84 = vector.shape_cast %reduce_max3A_83 : vector<512xf32> to vector<1x512xf32>
    %slice3A_85 = vector.extract_strided_slice %select_n3A {offsets = [5120, 0], sizes = [1024, 512], strides = [1, 1]} : vector<8192x512xf32> to vector<1024x512xf32>
    %reduce_max3A_86 = arith.constant dense<0xFF800000> : vector<512xf32>
    %reduce_max3A_87 = vector.multi_reduction <maximumf>, %slice3A_85, %reduce_max3A_86 [0] : vector<1024x512xf32> to vector<512xf32>
    %broadcast_in_dim3A_88 = vector.shape_cast %reduce_max3A_87 : vector<512xf32> to vector<1x512xf32>
    %slice3A_89 = vector.extract_strided_slice %select_n3A {offsets = [6144, 0], sizes = [1024, 512], strides = [1, 1]} : vector<8192x512xf32> to vector<1024x512xf32>
    %reduce_max3A_90 = arith.constant dense<0xFF800000> : vector<512xf32>
    %reduce_max3A_91 = vector.multi_reduction <maximumf>, %slice3A_89, %reduce_max3A_90 [0] : vector<1024x512xf32> to vector<512xf32>
    %broadcast_in_dim3A_92 = vector.shape_cast %reduce_max3A_91 : vector<512xf32> to vector<1x512xf32>
    %slice3A_93 = vector.extract_strided_slice %select_n3A {offsets = [7168, 0], sizes = [1024, 512], strides = [1, 1]} : vector<8192x512xf32> to vector<1024x512xf32>
    %reduce_max3A_94 = arith.constant dense<0xFF800000> : vector<512xf32>
    %reduce_max3A_95 = vector.multi_reduction <maximumf>, %slice3A_93, %reduce_max3A_94 [0] : vector<1024x512xf32> to vector<512xf32>
    %broadcast_in_dim3A_96 = vector.shape_cast %reduce_max3A_95 : vector<512xf32> to vector<1x512xf32>
    %concatenate3A = tpu.concatenate %broadcast_in_dim3A_68, %broadcast_in_dim3A_72, %broadcast_in_dim3A_76, %broadcast_in_dim3A_80, %broadcast_in_dim3A_84, %broadcast_in_dim3A_88, %broadcast_in_dim3A_92, %broadcast_in_dim3A_96 in 0 : vector<1x512xf32>, vector<1x512xf32>, vector<1x512xf32>, vector<1x512xf32>, vector<1x512xf32>, vector<1x512xf32>, vector<1x512xf32>, vector<1x512xf32> -> vector<8x512xf32>
    %convert_element_type3A_97 = arith.truncf %concatenate3A : vector<8x512xf32> to vector<8x512xbf16>
    %get3A_98 = arith.constant 0 : index
    %get3A_99 = arith.constant 0 : index
    %get3A_100 = vector.load %arg10[%get3A_98, %get3A_99] : memref<512x256xbf16, #tpu.memory_space<vmem>>, vector<512x256xbf16>
    %dot_general3A_101 = arith.constant dense<0.000000e+00> : vector<8x256xf32>
    %dot_general3A_102 = tpu.matmul %convert_element_type3A_97, %get3A_100, %dot_general3A_101 {dimension_numbers = #tpu.dot_dimension_numbers<[1], [0], [0], [1], [0, 0, 1, 1], [], []>, transpose_lhs_hint = false} : vector<8x512xbf16>, vector<512x256xbf16>, vector<8x256xf32> -> vector<8x256xf32>
    %get3A_103 = arith.constant 0 : index
    %get3A_104 = arith.constant 0 : index
    %get3A_105 = vector.load %arg11[%get3A_103, %get3A_104] : memref<1x256xf32, #tpu.memory_space<vmem>>, vector<1x256xf32>
    %add3A_106 = vector.broadcast %get3A_105 : vector<1x256xf32> to vector<8x256xf32>
    %add3A_107 = arith.addf %dot_general3A_102, %add3A_106 : vector<8x256xf32>
    %reduce_sum3A_108 = arith.constant dense<0.000000e+00> : vector<256xf32>
    %reduce_sum3A_109 = vector.multi_reduction <add>, %add3A_107, %reduce_sum3A_108 [0] : vector<8x256xf32> to vector<256xf32>
    %broadcast_in_dim3A_110 = vector.shape_cast %reduce_sum3A_109 : vector<256xf32> to vector<1x256xf32>
    %div3A_111 = arith.constant 8.000000e+00 : f32
    %div3A_112 = vector.broadcast %div3A_111 : f32 to vector<1x256xf32>
    %div3A_113 = arith.divf %broadcast_in_dim3A_110, %div3A_112 : vector<1x256xf32>
    %mul3A_114 = arith.mulf %add3A_107, %add3A_107 : vector<8x256xf32>
    %reduce_sum3A_115 = arith.constant dense<0.000000e+00> : vector<256xf32>
    %reduce_sum3A_116 = vector.multi_reduction <add>, %mul3A_114, %reduce_sum3A_115 [0] : vector<8x256xf32> to vector<256xf32>
    %broadcast_in_dim3A_117 = vector.shape_cast %reduce_sum3A_116 : vector<256xf32> to vector<1x256xf32>
    %div3A_118 = arith.constant 8.000000e+00 : f32
    %div3A_119 = vector.broadcast %div3A_118 : f32 to vector<1x256xf32>
    %div3A_120 = arith.divf %broadcast_in_dim3A_117, %div3A_119 : vector<1x256xf32>
    %mul3A_121 = arith.mulf %div3A_113, %div3A_113 : vector<1x256xf32>
    %sub3A_122 = arith.subf %div3A_120, %mul3A_121 : vector<1x256xf32>
    %sub3A_123 = vector.broadcast %div3A_113 : vector<1x256xf32> to vector<8x256xf32>
    %sub3A_124 = arith.subf %add3A_107, %sub3A_123 : vector<8x256xf32>
    %add3A_125 = arith.constant 9.99999974E-6 : f32
    %add3A_126 = vector.broadcast %add3A_125 : f32 to vector<1x256xf32>
    %add3A_127 = arith.addf %sub3A_122, %add3A_126 : vector<1x256xf32>
    %sqrt3A_128 = math.sqrt %add3A_127 : vector<1x256xf32>
    %div3A_129 = vector.broadcast %sqrt3A_128 : vector<1x256xf32> to vector<8x256xf32>
    %div3A_130 = arith.divf %sub3A_124, %div3A_129 : vector<8x256xf32>
    %get3A_131 = arith.constant 0 : index
    %get3A_132 = arith.constant 0 : index
    %get3A_133 = vector.load %arg12[%get3A_131, %get3A_132] : memref<1x256xf32, #tpu.memory_space<vmem>>, vector<1x256xf32>
    %mul3A_134 = vector.broadcast %get3A_133 : vector<1x256xf32> to vector<8x256xf32>
    %mul3A_135 = arith.mulf %div3A_130, %mul3A_134 : vector<8x256xf32>
    %get3A_136 = arith.constant 0 : index
    %get3A_137 = arith.constant 0 : index
    %get3A_138 = vector.load %arg13[%get3A_136, %get3A_137] : memref<1x256xf32, #tpu.memory_space<vmem>>, vector<1x256xf32>
    %add3A_139 = vector.broadcast %get3A_138 : vector<1x256xf32> to vector<8x256xf32>
    %add3A_140 = arith.addf %mul3A_135, %add3A_139 : vector<8x256xf32>
    %ge3A_141 = arith.constant 0.000000e+00 : f32
    %ge3A_142 = vector.broadcast %ge3A_141 : f32 to vector<8x256xf32>
    %ge3A_143 = arith.cmpf oge, %add3A_140, %ge3A_142 : vector<8x256xf32>
    %mul3A_144 = arith.constant 2.000000e-01 : f32
    %mul3A_145 = vector.broadcast %mul3A_144 : f32 to vector<8x256xf32>
    %mul3A_146 = arith.mulf %mul3A_145, %add3A_140 : vector<8x256xf32>
    %select_n3A_147 = arith.select %ge3A_143, %add3A_140, %mul3A_146 : vector<8x256xi1>, vector<8x256xf32>
    %convert_element_type3A_148 = arith.truncf %select_n3A_147 : vector<8x256xf32> to vector<8x256xbf16>
    %get3A_149 = arith.constant 0 : index
    %get3A_150 = arith.constant 0 : index
    %get3A_151 = vector.load %arg14[%get3A_149, %get3A_150] : memref<256x128xbf16, #tpu.memory_space<vmem>>, vector<256x128xbf16>
    %dot_general3A_152 = arith.constant dense<0.000000e+00> : vector<8x128xf32>
    %dot_general3A_153 = tpu.matmul %convert_element_type3A_148, %get3A_151, %dot_general3A_152 {dimension_numbers = #tpu.dot_dimension_numbers<[1], [0], [0], [1], [0, 0, 1, 1], [], []>, transpose_lhs_hint = false} : vector<8x256xbf16>, vector<256x128xbf16>, vector<8x128xf32> -> vector<8x128xf32>
    %get3A_154 = arith.constant 0 : index
    %get3A_155 = arith.constant 0 : index
    %get3A_156 = vector.load %arg15[%get3A_154, %get3A_155] : memref<1x128xf32, #tpu.memory_space<vmem>>, vector<1x128xf32>
    %add3A_157 = vector.broadcast %get3A_156 : vector<1x128xf32> to vector<8x128xf32>
    %add3A_158 = arith.addf %dot_general3A_153, %add3A_157 : vector<8x128xf32>
    %reduce_sum3A_159 = arith.constant dense<0.000000e+00> : vector<128xf32>
    %reduce_sum3A_160 = vector.multi_reduction <add>, %add3A_158, %reduce_sum3A_159 [0] : vector<8x128xf32> to vector<128xf32>
    %broadcast_in_dim3A_161 = vector.shape_cast %reduce_sum3A_160 : vector<128xf32> to vector<1x128xf32>
    %div3A_162 = arith.constant 8.000000e+00 : f32
    %div3A_163 = vector.broadcast %div3A_162 : f32 to vector<1x128xf32>
    %div3A_164 = arith.divf %broadcast_in_dim3A_161, %div3A_163 : vector<1x128xf32>
    %mul3A_165 = arith.mulf %add3A_158, %add3A_158 : vector<8x128xf32>
    %reduce_sum3A_166 = arith.constant dense<0.000000e+00> : vector<128xf32>
    %reduce_sum3A_167 = vector.multi_reduction <add>, %mul3A_165, %reduce_sum3A_166 [0] : vector<8x128xf32> to vector<128xf32>
    %broadcast_in_dim3A_168 = vector.shape_cast %reduce_sum3A_167 : vector<128xf32> to vector<1x128xf32>
    %div3A_169 = arith.constant 8.000000e+00 : f32
    %div3A_170 = vector.broadcast %div3A_169 : f32 to vector<1x128xf32>
    %div3A_171 = arith.divf %broadcast_in_dim3A_168, %div3A_170 : vector<1x128xf32>
    %mul3A_172 = arith.mulf %div3A_164, %div3A_164 : vector<1x128xf32>
    %sub3A_173 = arith.subf %div3A_171, %mul3A_172 : vector<1x128xf32>
    %sub3A_174 = vector.broadcast %div3A_164 : vector<1x128xf32> to vector<8x128xf32>
    %sub3A_175 = arith.subf %add3A_158, %sub3A_174 : vector<8x128xf32>
    %add3A_176 = arith.constant 9.99999974E-6 : f32
    %add3A_177 = vector.broadcast %add3A_176 : f32 to vector<1x128xf32>
    %add3A_178 = arith.addf %sub3A_173, %add3A_177 : vector<1x128xf32>
    %sqrt3A_179 = math.sqrt %add3A_178 : vector<1x128xf32>
    %div3A_180 = vector.broadcast %sqrt3A_179 : vector<1x128xf32> to vector<8x128xf32>
    %div3A_181 = arith.divf %sub3A_175, %div3A_180 : vector<8x128xf32>
    %get3A_182 = arith.constant 0 : index
    %get3A_183 = arith.constant 0 : index
    %get3A_184 = vector.load %arg16[%get3A_182, %get3A_183] : memref<1x128xf32, #tpu.memory_space<vmem>>, vector<1x128xf32>
    %mul3A_185 = vector.broadcast %get3A_184 : vector<1x128xf32> to vector<8x128xf32>
    %mul3A_186 = arith.mulf %div3A_181, %mul3A_185 : vector<8x128xf32>
    %get3A_187 = arith.constant 0 : index
    %get3A_188 = arith.constant 0 : index
    %get3A_189 = vector.load %arg17[%get3A_187, %get3A_188] : memref<1x128xf32, #tpu.memory_space<vmem>>, vector<1x128xf32>
    %add3A_190 = vector.broadcast %get3A_189 : vector<1x128xf32> to vector<8x128xf32>
    %add3A_191 = arith.addf %mul3A_186, %add3A_190 : vector<8x128xf32>
    %ge3A_192 = arith.constant 0.000000e+00 : f32
    %ge3A_193 = vector.broadcast %ge3A_192 : f32 to vector<8x128xf32>
    %ge3A_194 = arith.cmpf oge, %add3A_191, %ge3A_193 : vector<8x128xf32>
    %mul3A_195 = arith.constant 2.000000e-01 : f32
    %mul3A_196 = vector.broadcast %mul3A_195 : f32 to vector<8x128xf32>
    %mul3A_197 = arith.mulf %mul3A_196, %add3A_191 : vector<8x128xf32>
    %select_n3A_198 = arith.select %ge3A_194, %add3A_191, %mul3A_197 : vector<8x128xi1>, vector<8x128xf32>
    %convert_element_type3A_199 = arith.truncf %select_n3A_198 : vector<8x128xf32> to vector<8x128xbf16>
    %get3A_200 = arith.constant 0 : index
    %get3A_201 = arith.constant 0 : index
    %get3A_202 = vector.load %arg18[%get3A_200, %get3A_201] : memref<128x40xbf16, #tpu.memory_space<vmem>>, vector<128x40xbf16>
    %dot_general3A_203 = arith.constant dense<0.000000e+00> : vector<8x40xf32>
    %dot_general3A_204 = tpu.matmul %convert_element_type3A_199, %get3A_202, %dot_general3A_203 {dimension_numbers = #tpu.dot_dimension_numbers<[1], [0], [0], [1], [0, 0, 1, 1], [], []>, transpose_lhs_hint = false} : vector<8x128xbf16>, vector<128x40xbf16>, vector<8x40xf32> -> vector<8x40xf32>
    %get3A_205 = arith.constant 0 : index
    %get3A_206 = arith.constant 0 : index
    %get3A_207 = vector.load %arg19[%get3A_205, %get3A_206] : memref<1x40xf32, #tpu.memory_space<vmem>>, vector<1x40xf32>
    %add3A_208 = vector.broadcast %get3A_207 : vector<1x40xf32> to vector<8x40xf32>
    %add3A_209 = arith.addf %dot_general3A_204, %add3A_208 : vector<8x40xf32>
    %swap3A = arith.constant 0 : index
    %swap3A_210 = arith.constant 0 : index
    %swap3A_211 = vector.load %arg20[%swap3A, %swap3A_210] : memref<8x40xf32, #tpu.memory_space<vmem>>, vector<8x40xf32>
    tpu.vector_store %arg20[%swap3A, %swap3A_210], %add3A_209 {strides = array<i32>} : memref<8x40xf32, #tpu.memory_space<vmem>>, vector<8x40xf32>,
    return
  }
}

</mosaic_0001>

<sc_bundles>
// kernel: kernel.19.cloned.1.call-start
scs
__scs_entry_jumppad:
0x0: {  	(pc) =	sbr.rel $0x88, $3  }
0x1: {  	(tag) =	ssettag $0x0;
	lr =	simm.s32 $0x1  }
0x2: {  	[smem:$0x3F87] =	sst lr;
	_ =	strace $0xD0000000  }
0x3: {  	_ = 	snop  }
0x4: {  	_ = 	snop  }
0x5: {  	_ = 	snop  }
0x6: {  	_ = 	snop  }
0x7: {  	_ = 	snop  }
__scs_overlays_trampoline_lowered:
0x8: {  	[smem:$0x3F96] =	sst s0  }
0x9: {  	[smem:$0x3F97] =	sst s1  }
0xa: {  	[smem:$0x3F98] =	sst s2  }
0xb: {  	[smem:$0x3F99] =	sst s3  }
0xc: {  	[smem:$0x3F9A] =	sst s4  }
0xd: {  	[smem:$0x3F9B] =	sst s5  }
0xe: {  	[smem:$0x3F9C] =	sst s6  }
0xf: {  	[smem:$0x3F9D] =	sst s7  }
0x10: {  	[smem:$0x3F9E] =	sst s8  }
0x11: {  	[smem:$0x3F9F] =	sst s9;
	s0 =	simm.s32 @!p0 $0x0  }
0x12: {  	s1 =	sld [smem:$0x3F85];
	s0 =	simm.s32 @p0 $0x1  }
0x13: {  	[smem:$0x3FA0] =	sst s0;
	s0 =	simm.s32 @!p1 $0x0  }
0x14: {  	s2 =	sld [smem:$0x3F84];
	s0 =	simm.s32 @p1 $0x1  }
0x15: {  	[smem:$0x3FA1] =	sst s0;
	s0 =	simm.s32 @!p2 $0x0  }
0x16: {  	s3 =	sld [smem:$0x3FDB];
	s0 =	simm.s32 @p2 $0x1  }
0x17: {  	s4 =	simm.s32 $0x1BF5;
	[smem:$0x3FA3] =	sst s0  }
0x18: {  	s0 =	sld [smem:$0x3F86];
	_ =	swait.ge [sflag:s4], $0x0  }
0x19: {  	s7 =	sld [smem:$0x3F87]  }
0x1a: {  	s8 =	sadd.s32 $0xFFFFE003, lr  }
0x1b: {  	s9 =	sadd.s32 $0xFFFFFEF7, lr;
	s5 =	simm.s32 $0xFFFFFFFF;
	p2 =	slt.u32 s8, $0xFFFFF086  }
0x1c: {  	p1 =	slt.u32 s9, $0xF7A;
	s5 =	simm.s32 @!p2 $0x0  }
0x1d: {  	s5 =	simm.s32 @p1 $0x1;
	p0 =	seq.s32 s7, s2  }
0x1e: {  	s7 =	smul.u32 @!p0 $0xF7A, s2;
	p2 =	seq.s32 @!p0 s5, $0x0  }
0x1f: {  	s9 =	smul.u32 $0xF7A, s1;
	s8 =	simm.s32 @!p0 $0x1BF5;
	p2 =	por !p2, p0  }
0x20: {  	[sflag:s8] =	ssyncset.s32 @!p0 $0xFFFFF086;
	s6 =	sadd.s32 @!p0 s3, s7;
	s7 =	simm.s32 @!p0 $0x108  }
0x21: {  	s3 =	sadd.s32 s3, s9;
	s6 =	sadd.s32 @!p0 $0x88, s6;
	s7 =	simm.s32 @p2 $0x1082  }
0x22: {  	[simem:s7], [sflag:s8] =	dma.local @!p0 [hbm:s6], $0xF7A  }
0x23: {  	s9 =	sor.u32 $0xD0000000, s2;
	s6 =	simm.s32 $0x108;
	_ =	swait.ge @!p0 [sflag:s8], $0x0  }
0x24: {  	s3 =	sadd.s32 $0x88, s3;
	s6 =	simm.s32 @!p1 $0x1082;
	[sflag:s4] =	ssyncset.s32 $0xFFFFF086  }
0x25: {  	[simem:s6], [sflag:s4] =	dma.local [hbm:s3], $0xF7A  }
0x26: {  	[smem:$0x3F87] =	sst s1;
	(tag) =	ssettag s2;
	_ =	strace s9  }
0x27: {  	s1 =	sld [smem:$0x3F97]  }
0x28: {  	s2 =	sld [smem:$0x3F98]  }
0x29: {  	s4 =	sld [smem:$0x3F9A]  }
0x2a: {  	p0 =	seq.s32 s5, $0x0;
	s5 =	sld [smem:$0x3F9B]  }
0x2b: {  	s6 =	sld [smem:$0x3F9C]  }
0x2c: {  	s7 =	sld [smem:$0x3F9D]  }
0x2d: {  	s3 =	simm.s32 $0x108;
	s8 =	sld [smem:$0x3F9E]  }
0x2e: {  	s3 =	simm.s32 @!p0 $0x1082;
	s9 =	sld [smem:$0x3F9F]  }
0x2f: {  	lr =	sadd.s32 s0, s3;
	s0 =	sld [smem:$0x3F96]  }
0x30: {  	s3 =	sld [smem:$0x3F99]  }
0x31: {  	[smem:$0x3FA2] =	sst s10  }
0x32: {  	s10 =	sld [smem:$0x3FA0];
	_ =	sdelay $0x3  }
0x33: {  	p0 =	seq.s32 s10, $0x1;
	s10 =	sld [smem:$0x3FA2];
	_ =	sdelay $0x3  }
0x34: {  	[smem:$0x3FA2] =	sst s10  }
0x35: {  	s10 =	sld [smem:$0x3FA1];
	_ =	sdelay $0x3  }
0x36: {  	p1 =	seq.s32 s10, $0x1;
	s10 =	sld [smem:$0x3FA2];
	_ =	sdelay $0x3  }
0x37: {  	[smem:$0x3FA2] =	sst s10  }
0x38: {  	s10 =	sld [smem:$0x3FA3]  }
0x39: {  	_ = 	snop;
	(pc) =	sbr.ind lr, $3  }
0x3a: {  	_ = 	snop  }
0x3b: {  	_ = 	snop  }
0x3c: {  	p2 =	seq.s32 s10, $0x1;
	s10 =	sld [smem:$0x3FA2]  }
0x3d: {  	_ =	shalt  }
0x3e: {  	_ =	shalt  }
0x3f: {  	_ =	shalt  }
0x40: {  	_ =	shalt  }
0x41: {  	_ =	shalt  }
0x42: {  	_ =	shalt  }
0x43: {  	_ =	shalt  }
0x44: {  	_ =	shalt  }
0x45: {  	_ =	shalt  }
0x46: {  	_ =	shalt  }
0x47: {  	_ =	shalt  }
0x48: {  	_ =	shalt  }
0x49: {  	_ =	shalt  }
0x4a: {  	_ =	shalt  }
0x4b: {  	_ =	shalt  }
0x4c: {  	_ =	shalt  }
0x4d: {  	_ =	shalt  }
0x4e: {  	_ =	shalt  }
0x4f: {  	_ =	shalt  }
0x50: {  	_ =	shalt  }
0x51: {  	_ =	shalt  }
0x52: {  	_ =	shalt  }
0x53: {  	_ =	shalt  }
0x54: {  	_ =	shalt  }
0x55: {  	_ =	shalt  }
0x56: {  	_ =	shalt  }
0x57: {  	_ =	shalt  }
0x58: {  	_ =	shalt  }
0x59: {  	_ =	shalt  }
0x5a: {  	_ =	shalt  }
0x5b: {  	_ =	shalt  }
0x5c: {  	_ =	shalt  }
0x5d: {  	_ =	shalt  }
0x5e: {  	_ =	shalt  }
0x5f: {  	_ =	shalt  }
0x60: {  	_ =	shalt  }
0x61: {  	_ =	shalt  }
0x62: {  	_ =	shalt  }
0x63: {  	_ =	shalt  }
0x64: {  	_ =	shalt  }
0x65: {  	_ =	shalt  }
0x66: {  	_ =	shalt  }
0x67: {  	_ =	shalt  }
0x68: {  	_ =	shalt  }
0x69: {  	_ =	shalt  }
0x6a: {  	_ =	shalt  }
0x6b: {  	_ =	shalt  }
0x6c: {  	_ =	shalt  }
0x6d: {  	_ =	shalt  }
0x6e: {  	_ =	shalt  }
0x6f: {  	_ =	shalt  }
0x70: {  	_ =	shalt  }
0x71: {  	_ =	shalt  }
0x72: {  	_ =	shalt  }
0x73: {  	_ =	shalt  }
0x74: {  	_ =	shalt  }
0x75: {  	_ =	shalt  }
0x76: {  	_ =	shalt  }
0x77: {  	_ =	shalt  }
0x78: {  	_ =	shalt  }
0x79: {  	_ =	shalt  }
0x7a: {  	_ =	shalt  }
0x7b: {  	_ =	shalt  }
0x7c: {  	_ =	shalt  }
0x7d: {  	_ =	shalt  }
0x7e: {  	_ =	shalt  }
0x7f: {  	_ =	shalt  }
0x80: {  	_ =	shalt  }
0x81: {  	_ =	shalt  }
0x82: {  	_ =	shalt  }
0x83: {  	_ =	shalt  }
0x84: {  	_ =	shalt  }
0x85: {  	_ =	shalt  }
0x86: {  	_ =	shalt  }
0x87: {  	_ =	shalt  }
.Lfunc_end0:
.L_simem_size_0:
called_computation_lowered:
.L_overlay_start_0:
0x88: {  	s2 =	sld [smem:$0x3FD9]  }
0x89: {  	s3 =	sld [smem:$0x3FFE];
	_ =	sdelay $0x1  }
0x8a: {  	s1 =	srdreg.scid  }
0x8b: {  	s0 =	sand.u32 $0x1, s1  }
0x8c: {  	s16 =	sshll.u32 s0, $0xA;
	s2 =	sadd.s32 s3, s2  }
0x8d: {  	s2 =	sadd.s32 s2, s16  }
0x8e: {  	[smem:$0x3FAE] =	sst s2  }
0x8f: {  	_ = 	snop  }
0x90: {  	(tm) =	ssettm $0x1  }
0x91: {  	s17 =	sld [smem:$0x3FFB];
	_ =	sdelay $0x3  }
0x92: {  	_ =	strace s17  }
0x93: {  	s2 =	sld [smem:$0x3FFC];
	_ =	sdelay $0x3  }
0x94: {  	_ =	strace s2  }
0x95: {  	s2 =	sld [smem:$0x3FFD];
	_ =	sdelay $0x3  }
0x96: {  	_ =	strace s2  }
0x97: {  	_ =	strace $0x8FFFFFFF  }
0x98: {  	s18 =	sld [smem:$0x3FDB];
	_ =	sdelay $0x1  }
0x99: {  	s19 =	simm.s32 $_scs_section_size  }
0x9a: {  	s4 =	simm.s32 $_size__tile_overlayer_lowered;
	s5 =	simm.s32 $_tile_overlayer_lowered  }
0x9b: {  	s22 =	simm.s32 $0x1BFF;
	s21 =	sshll.u32 s5, $0x1;
	s2 =	sadd.s32 s19, s18  }
0x9c: {  	s6 =	simm.s32 $0x0;
	s20 =	sshll.u32 s4, $0x1;
	s4 =	sadd.s32 s21, s2  }
0x9d: {  	[timem:s6], [sflag:s22] =	dma.local [hbm:s4], s20  }
0x9e: {  	_ =	swait.ge [sflag:s22], s20  }
0x9f: {  	s3 =	ssub.s32 $0x0, s20;
	[sflag:s22] =	ssyncset.done $0x0  }
0xa0: {  	[sflag:s22] =	ssyncadd.s32 s3;
	_ =	sdelay $0x1  }
0xa1: {  	s23 =	simm.s32 $0x1B8B  }
0xa2: {  	_ =	swait.ge [sflag:s23], $0x1  }
0xa3: {  	[sflag:s23] =	ssyncset.done $0x0  }
0xa4: {  	s25 =	simm.s32 $0x1B8E;
	s24 =	sld [smem:$0x3FFE];
	[sflag:s23] =	ssyncadd.s32 $0xFFFFFFFF  }
0xa5: {  	s26 =	simm.s32 $execute0_lowered;
	[smem:$0x3FD2] =	sst s25  }
0xa6: {  	s4 =	sshll.u32 s26, $0x1;
	_ =	strace $0x80000046;
	[dreg:$0x1] =	wrdreg $0xFFFFFFFF  }
0xa7: {  	s28 =	simm.s32 $_size_execute0_lowered;
	s2 =	sadd.s32 s2, s4;
	[dreg:$0x0] =	wrdreg $0x0  }
0xa8: {  	s4 =	sshll.u32 s28, $0x1;
	[dreg:$0x2] =	wrdreg s2  }
0xa9: {  	[dreg:$0x3] =	wrdreg s4  }
0xaa: {  	[dreg:$0x4] =	wrdreg $0xC0  }
0xab: {  	_ =	task [dreg:s6], $0x5FFFF  }
0xac: {  	[dreg:$0x1] =	wrdreg $0xFFFFFFFF  }
0xad: {  	[dreg:$0x0] =	wrdreg $0x60  }
0xae: {  	[dreg:$0x2] =	wrdreg s24  }
0xaf: {  	[dreg:$0x3] =	wrdreg $0x9  }
0xb0: {  	_ =	task.clear_ibuf [dreg:s6], $0x4FFFF;
	_ =	strace $0x90000046  }
0xb1: {  	s29 =	simm.s32 $0x9;
	_ =	strace $0x80000048  }
0xb2: {  	_ =	swait.ge [sflag:s29], $0x1  }
0xb3: {  	[sflag:s29] =	ssyncadd.s32 $0xFFFFFFFF  }
0xb4: {  	_ =	strace $0x90000048  }
0xb5: {  	_ =	sfence  }
0xb6: {  	s30 =	sld [smem:$0x0];
	_ =	sdelay $0x2  }
0xb7: {  	s31 =	sshll.u32 s1, $0xD;
	s1 =	sshrl.u32 s1, $0x2  }
0xb8: {  	s3 =	sand.u32 $0x4000, s31;
	s1 =	sadd.s32 s1, s30  }
0xb9: {  	s0 =	sor.u32 s3, s0;
	s1 =	sshll.u32 s1, $0x11  }
0xba: {  	s0 =	sor.u32 s1, s0  }
0xbb: {  	s0 =	sadd.s32 $0x8F2B, s0  }
0xbc: {  	[sflag:s0] =	ssyncadd.remote.s32 $0x1  }
0xbd: {  	_ =	sfence.sel $0xFFFF  }
0xbe: {  	[dreg:$0x0] =	wrdreg $0xFFFFFFFF;
	(pc) =	sbr.abs _section_cstart, $3  }
0xbf: {  	[dreg:$0x1] =	wrdreg $0xFFFFFFFF  }
0xc0: {  	_ =	task.clear_ibuf [dreg:s6], $0x2FFFF;
	_ =	strace $0x9FFFFFFF  }
0xc1: {  	(tm) =	ssettm $0x7FFFFFFF  }
tec
execute0_lowered:
.L_overlay_start_1:
0x0: {  	(tag) =	ssettag $0x1  }
0x1: {  	s1 =	srdreg.scid  }
0x2: {  	s0 =	stileid.u32;
	s4 =	rddreg [dreg:$0x0]  }
0x3: {  	s2 =	simm.s32 $0x0;
	s11 =	simm.s32 $0xA0;
	s12 =	simm.s32 $0x6400  }
0x4: {  	s13 =	simm.s32 $0x1;
	s14 =	simm.s32 $0x2;
	s15 =	simm.s32 $0x1360  }
0x5: {  	s16 =	simm.s32 $0x0;
	s6 =	sand.u32 $0x1, s1;
	s1 =	rddreg [dreg:$0x1]  }
0x6: {  	s25 =	sshll.u32 s0, $0x1;
	[smem:$0x7FF] =	sst s2;
	s29 =	smul.u32 $0x28000, s0  }
0x7: {  	s5 =	sor.u32 s6, s25;
	s8 =	ssub.s32 $0x2, s6;
	s31 =	smul.u32 $0x14000, s6  }
0x8: {  	s9 =	sadd.s32 $0x28A00, s4;
	s3 =	smul.u32 $0x1400, s5;
	s26 =	sshrl.u32 s8, $0x1  }
0x9: {  	_ =	strace $0x80000047;
	s10 =	smul.u32 $0x14000, s5;
	s28 =	ssub.s32 s8, s26  }
0xa: {  	s8 =	sadd.s32 s29, s9;
	s7 =	sshrl.u32 s3, $0x3;
	s3 =	sadd.s32 $0x3A00, s4  }
0xb: {  	s5 =	smax.u32 s28, $0x1;
	s30 =	sadd.s32 s9, s10;
	s8 =	sadd.s32 s31, s8  }
0xc: {  	s9 =	simm.s32 $0x3;
	s10 =	simm.s32 $0x1400;
	s7 =	sadd.s32 s7, s4  }
0xd: {  	s6 =	sadd.s32 $0x12C00, s30;
	s4 =	sadd.s32 $0x23A00, s7;
	s7 =	sadd.s32 $0x13600, s30  }
.LBB2_1:
0xe: {  	[tilespmem:s2], [sflag:$0x3] =	stream.linear.gather [hbm4b:s4+s2], $0x1400, $0x38;
	[tilespmem:$0xB400] =	vst v63  }
0xf: {  	_ =	swait.ge [sflag:s9], $0x1400  }
0x10: {  	[sflag:s9] =	ssyncset.done $0x0  }
0x11: {  	[sflag:s9] =	ssyncadd.s32 $0xFFFFEC00  }
0x12: {  	[tilespmem:s10], [sflag:$0x1] =	stream.indirect.gather [hbm4b:s3+s11], $0x80, s2, s11, $0xb8;
	[tilespmem:$0xB400] =	vst v63  }
0x13: {  	_ = 	snop  }
0x14: {  	[tilespmem:s12], [sflag:$0x2] =	stream.indirect.gather [hbm4b:s3+s11], $0x80, s11, s11, $0xb8;
	[tilespmem:$0xB400] =	vst v63  }
0x15: {  	_ =	swait.ge [sflag:s13], $0x5000  }
0x16: {  	[sflag:s13] =	ssyncset.done $0x0  }
0x17: {  	s17 =	sadd.s32 $0x0, s8;
	[sflag:s13] =	ssyncadd.s32 $0xFFFFB000  }
0x18: {  	[hbm4b:s17+s2] =	stream.linear.scatter [tilespmem:s10], [sflag:$0x3], $0x5000, $0x38;
	[tilespmem:$0xB400] =	vst v63  }
0x19: {  	_ =	swait.ge [sflag:s9], $0x5000  }
0x1a: {  	[sflag:s9] =	ssyncset.done $0x0  }
0x1b: {  	s18 =	simm.s32 $0x140;
	[sflag:s9] =	ssyncadd.s32 $0xFFFFB000  }
0x1c: {  	[tilespmem:s10], [sflag:$0x1] =	stream.indirect.gather [hbm4b:s3+s11], $0x80, s18, s11, $0xb8;
	[tilespmem:$0xB400] =	vst v63  }
0x1d: {  	_ =	swait.ge [sflag:s14], $0x5000  }
0x1e: {  	[sflag:s14] =	ssyncset.done $0x0  }
0x1f: {  	s17 =	sadd.s32 $0xA00, s17;
	[sflag:s14] =	ssyncadd.s32 $0xFFFFB000  }
0x20: {  	[hbm4b:s17+s2] =	stream.linear.scatter [tilespmem:s12], [sflag:$0x3], $0x5000, $0x38;
	[tilespmem:$0xB400] =	vst v63  }
0x21: {  	_ =	swait.ge [sflag:s9], $0x5000  }
0x22: {  	s18 =	simm.s32 $0xA0;
	s17 =	simm.s32 $0x1400;
	[sflag:s9] =	ssyncset.done $0x0  }
.LBB2_2:
0x23: {  	p0 =	sne.s32 s17, $0x11800;
	[sflag:s9] =	ssyncadd.s32 $0xFFFFB000;
	s18 =	sadd.s32 $0x140, s18  }
0x24: {  	[tilespmem:s12], [sflag:$0x2] =	stream.indirect.gather [hbm4b:s3+s11], $0x80, s18, s11, $0xb8;
	[tilespmem:$0xB400] =	vst v63  }
0x25: {  	s19 =	smov.u32 s17;
	s17 =	sadd.s32 $0x1400, s17;
	_ =	swait.ge [sflag:s13], $0x5000  }
0x26: {  	[sflag:s13] =	ssyncset.done $0x0  }
0x27: {  	s19 =	sadd.s32 s19, s8;
	[sflag:s13] =	ssyncadd.s32 $0xFFFFB000  }
0x28: {  	[hbm4b:s19+s2] =	stream.linear.scatter [tilespmem:s10], [sflag:$0x3], $0x5000, $0x38;
	[tilespmem:$0xB400] =	vst v63  }
0x29: {  	_ =	swait.ge [sflag:s9], $0x5000  }
0x2a: {  	[sflag:s9] =	ssyncset.done $0x0  }
0x2b: {  	s20 =	sadd.s32 $0xA0, s18;
	[sflag:s9] =	ssyncadd.s32 $0xFFFFB000  }
0x2c: {  	[tilespmem:s10], [sflag:$0x1] =	stream.indirect.gather [hbm4b:s3+s11], $0x80, s20, s11, $0xb8;
	[tilespmem:$0xB400] =	vst v63  }
0x2d: {  	_ =	swait.ge [sflag:s14], $0x5000  }
.Ltmp0:
0x2e: {  	[sflag:s14] =	ssyncset.done $0x0;
	(pc) =	sbr.rel @p0 .LBB2_2-.Ltmp0, $4  }
0x2f: {  	s19 =	sadd.s32 $0xA00, s19;
	[sflag:s14] =	ssyncadd.s32 $0xFFFFB000  }
0x30: {  	[hbm4b:s19+s2] =	stream.linear.scatter [tilespmem:s12], [sflag:$0x3], $0x5000, $0x38;
	[tilespmem:$0xB400] =	vst v63  }
0x31: {  	_ =	swait.ge [sflag:s9], $0x5000  }
0x32: {  	[sflag:s9] =	ssyncset.done $0x0  }
0x33: {  	[sflag:s9] =	ssyncadd.s32 $0xFFFFB000  }
0x34: {  	[tilespmem:s12], [sflag:$0x2] =	stream.indirect.gather [hbm4b:s3+s11], $0x80, s15, s11, $0xb8;
	[tilespmem:$0xB400] =	vst v63  }
0x35: {  	_ =	swait.ge [sflag:s13], $0x5000  }
0x36: {  	[sflag:s13] =	ssyncset.done $0x0  }
0x37: {  	[sflag:s13] =	ssyncadd.s32 $0xFFFFB000  }
0x38: {  	[hbm4b:s6+s2] =	stream.linear.scatter [tilespmem:s10], [sflag:$0x3], $0x5000, $0x38;
	[tilespmem:$0xB400] =	vst v63  }
0x39: {  	_ =	swait.ge [sflag:s9], $0x5000  }
0x3a: {  	[sflag:s9] =	ssyncset.done $0x0  }
0x3b: {  	[sflag:s9] =	ssyncadd.s32 $0xFFFFB000  }
0x3c: {  	s16 =	sadd.s32 $0x1, s16;
	_ =	swait.ge [sflag:s14], $0x5000  }
0x3d: {  	p0 =	sne.s32 s16, s5;
	[sflag:s14] =	ssyncset.done $0x0  }
.Ltmp1:
0x3e: {  	[sflag:s14] =	ssyncadd.s32 $0xFFFFB000;
	(pc) =	sbr.rel @p0 .LBB2_1-.Ltmp1, $4  }
0x3f: {  	[hbm4b:s7+s2] =	stream.linear.scatter [tilespmem:s12], [sflag:$0x3], $0x5000, $0x38;
	[tilespmem:$0xB400] =	vst v63  }
0x40: {  	_ =	swait.ge [sflag:s9], $0x5000  }
0x41: {  	[sflag:s9] =	ssyncset.done $0x0  }
0x42: {  	[sflag:s9] =	ssyncadd.s32 $0xFFFFB000  }
0x43: {  	_ =	sfence.sel $0x180000  }
0x44: {  	[bflag:$0x0] =	sbarrier.arrive $0xFFFF  }
0x45: {  	p0 =	sne.s32 s0, $0x0;
	_ =	strace $0x90000047  }
0x46: {  	s0 =	sadd.s32 @!p0 $0x100000, s1;
	[bflag:$0x2] =	sbarrier.arrive $0xFFFF  }
0x47: {  	[sflag:s0] =	ssyncadd.tile.s32 @!p0 $0x1;
	_ =	shalt  }
.Lfunc_end2:
_tile_overlayer_lowered:
.L_overlay_start_2:
0x48: {  	(tag) =	ssettag $0x2  }
0x49: {  	s0 =	rddreg [dreg:$0x0];
	s2 =	stileid.u32  }
0x4a: {  	s1 =	rddreg [dreg:$0x1];
	p0 =	sne.s32 s2, $0x0  }
0x4b: {  	s3 =	rddreg [dreg:$0x2];
	[bflag:$0x3] =	sbarrier.arrive $0xFFFF;
	s2 =	simm.s32 @!p0 $0x1C03  }
0x4c: {  	[timem:s3], [sflag:s2] =	dma.local @!p0 [hbm:s0], s1  }
0x4d: {  	s0 =	simm.s32 @!p0 $0x3  }
0x4e: {  	_ =	swait.ge @!p0 [sflag:s0], s1  }
0x4f: {  	s1 =	ssub.s32 @!p0 $0x0, s1;
	[sflag:s0] =	ssyncset.done @!p0 $0x0  }
0x50: {  	[sflag:s0] =	ssyncadd.s32 @!p0 s1  }
0x51: {  	[bflag:$0x3] =	sbarrier.arrive $0xFFFF  }
0x52: {  	_ =	shalt  }

// kernel: kernel.22.cloned.1.call-start
scs
__scs_entry_jumppad:
0x0: {  	(pc) =	sbr.rel $0x88, $3  }
0x1: {  	(tag) =	ssettag $0x0;
	lr =	simm.s32 $0x1  }
0x2: {  	[smem:$0x3F87] =	sst lr;
	_ =	strace $0xD0000000  }
0x3: {  	_ = 	snop  }
0x4: {  	_ = 	snop  }
0x5: {  	_ = 	snop  }
0x6: {  	_ = 	snop  }
0x7: {  	_ = 	snop  }
__scs_overlays_trampoline_lowered:
0x8: {  	[smem:$0x3F96] =	sst s0  }
0x9: {  	[smem:$0x3F97] =	sst s1  }
0xa: {  	[smem:$0x3F98] =	sst s2  }
0xb: {  	[smem:$0x3F99] =	sst s3  }
0xc: {  	[smem:$0x3F9A] =	sst s4  }
0xd: {  	[smem:$0x3F9B] =	sst s5  }
0xe: {  	[smem:$0x3F9C] =	sst s6  }
0xf: {  	[smem:$0x3F9D] =	sst s7  }
0x10: {  	[smem:$0x3F9E] =	sst s8  }
0x11: {  	[smem:$0x3F9F] =	sst s9;
	s0 =	simm.s32 @!p0 $0x0  }
0x12: {  	s1 =	sld [smem:$0x3F85];
	s0 =	simm.s32 @p0 $0x1  }
0x13: {  	[smem:$0x3FA0] =	sst s0;
	s0 =	simm.s32 @!p1 $0x0  }
0x14: {  	s2 =	sld [smem:$0x3F84];
	s0 =	simm.s32 @p1 $0x1  }
0x15: {  	[smem:$0x3FA1] =	sst s0;
	s0 =	simm.s32 @!p2 $0x0  }
0x16: {  	s3 =	sld [smem:$0x3FDB];
	s0 =	simm.s32 @p2 $0x1  }
0x17: {  	s4 =	simm.s32 $0x1BF5;
	[smem:$0x3FA3] =	sst s0  }
0x18: {  	s0 =	sld [smem:$0x3F86];
	_ =	swait.ge [sflag:s4], $0x0  }
0x19: {  	s7 =	sld [smem:$0x3F87]  }
0x1a: {  	s8 =	sadd.s32 $0xFFFFE003, lr  }
0x1b: {  	s9 =	sadd.s32 $0xFFFFFEF7, lr;
	s5 =	simm.s32 $0xFFFFFFFF;
	p2 =	slt.u32 s8, $0xFFFFF086  }
0x1c: {  	p1 =	slt.u32 s9, $0xF7A;
	s5 =	simm.s32 @!p2 $0x0  }
0x1d: {  	s5 =	simm.s32 @p1 $0x1;
	p0 =	seq.s32 s7, s2  }
0x1e: {  	s7 =	smul.u32 @!p0 $0xF7A, s2;
	p2 =	seq.s32 @!p0 s5, $0x0  }
0x1f: {  	s9 =	smul.u32 $0xF7A, s1;
	s8 =	simm.s32 @!p0 $0x1BF5;
	p2 =	por !p2, p0  }
0x20: {  	[sflag:s8] =	ssyncset.s32 @!p0 $0xFFFFF086;
	s6 =	sadd.s32 @!p0 s3, s7;
	s7 =	simm.s32 @!p0 $0x108  }
0x21: {  	s3 =	sadd.s32 s3, s9;
	s6 =	sadd.s32 @!p0 $0x88, s6;
	s7 =	simm.s32 @p2 $0x1082  }
0x22: {  	[simem:s7], [sflag:s8] =	dma.local @!p0 [hbm:s6], $0xF7A  }
0x23: {  	s9 =	sor.u32 $0xD0000000, s2;
	s6 =	simm.s32 $0x108;
	_ =	swait.ge @!p0 [sflag:s8], $0x0  }
0x24: {  	s3 =	sadd.s32 $0x88, s3;
	s6 =	simm.s32 @!p1 $0x1082;
	[sflag:s4] =	ssyncset.s32 $0xFFFFF086  }
0x25: {  	[simem:s6], [sflag:s4] =	dma.local [hbm:s3], $0xF7A  }
0x26: {  	[smem:$0x3F87] =	sst s1;
	(tag) =	ssettag s2;
	_ =	strace s9  }
0x27: {  	s1 =	sld [smem:$0x3F97]  }
0x28: {  	s2 =	sld [smem:$0x3F98]  }
0x29: {  	s4 =	sld [smem:$0x3F9A]  }
0x2a: {  	p0 =	seq.s32 s5, $0x0;
	s5 =	sld [smem:$0x3F9B]  }
0x2b: {  	s6 =	sld [smem:$0x3F9C]  }
0x2c: {  	s7 =	sld [smem:$0x3F9D]  }
0x2d: {  	s3 =	simm.s32 $0x108;
	s8 =	sld [smem:$0x3F9E]  }
0x2e: {  	s3 =	simm.s32 @!p0 $0x1082;
	s9 =	sld [smem:$0x3F9F]  }
0x2f: {  	lr =	sadd.s32 s0, s3;
	s0 =	sld [smem:$0x3F96]  }
0x30: {  	s3 =	sld [smem:$0x3F99]  }
0x31: {  	[smem:$0x3FA2] =	sst s10  }
0x32: {  	s10 =	sld [smem:$0x3FA0];
	_ =	sdelay $0x3  }
0x33: {  	p0 =	seq.s32 s10, $0x1;
	s10 =	sld [smem:$0x3FA2];
	_ =	sdelay $0x3  }
0x34: {  	[smem:$0x3FA2] =	sst s10  }
0x35: {  	s10 =	sld [smem:$0x3FA1];
	_ =	sdelay $0x3  }
0x36: {  	p1 =	seq.s32 s10, $0x1;
	s10 =	sld [smem:$0x3FA2];
	_ =	sdelay $0x3  }
0x37: {  	[smem:$0x3FA2] =	sst s10  }
0x38: {  	s10 =	sld [smem:$0x3FA3]  }
0x39: {  	_ = 	snop;
	(pc) =	sbr.ind lr, $3  }
0x3a: {  	_ = 	snop  }
0x3b: {  	_ = 	snop  }
0x3c: {  	p2 =	seq.s32 s10, $0x1;
	s10 =	sld [smem:$0x3FA2]  }
0x3d: {  	_ =	shalt  }
0x3e: {  	_ =	shalt  }
0x3f: {  	_ =	shalt  }
0x40: {  	_ =	shalt  }
0x41: {  	_ =	shalt  }
0x42: {  	_ =	shalt  }
0x43: {  	_ =	shalt  }
0x44: {  	_ =	shalt  }
0x45: {  	_ =	shalt  }
0x46: {  	_ =	shalt  }
0x47: {  	_ =	shalt  }
0x48: {  	_ =	shalt  }
0x49: {  	_ =	shalt  }
0x4a: {  	_ =	shalt  }
0x4b: {  	_ =	shalt  }
0x4c: {  	_ =	shalt  }
0x4d: {  	_ =	shalt  }
0x4e: {  	_ =	shalt  }
0x4f: {  	_ =	shalt  }
0x50: {  	_ =	shalt  }
0x51: {  	_ =	shalt  }
0x52: {  	_ =	shalt  }
0x53: {  	_ =	shalt  }
0x54: {  	_ =	shalt  }
0x55: {  	_ =	shalt  }
0x56: {  	_ =	shalt  }
0x57: {  	_ =	shalt  }
0x58: {  	_ =	shalt  }
0x59: {  	_ =	shalt  }
0x5a: {  	_ =	shalt  }
0x5b: {  	_ =	shalt  }
0x5c: {  	_ =	shalt  }
0x5d: {  	_ =	shalt  }
0x5e: {  	_ =	shalt  }
0x5f: {  	_ =	shalt  }
0x60: {  	_ =	shalt  }
0x61: {  	_ =	shalt  }
0x62: {  	_ =	shalt  }
0x63: {  	_ =	shalt  }
0x64: {  	_ =	shalt  }
0x65: {  	_ =	shalt  }
0x66: {  	_ =	shalt  }
0x67: {  	_ =	shalt  }
0x68: {  	_ =	shalt  }
0x69: {  	_ =	shalt  }
0x6a: {  	_ =	shalt  }
0x6b: {  	_ =	shalt  }
0x6c: {  	_ =	shalt  }
0x6d: {  	_ =	shalt  }
0x6e: {  	_ =	shalt  }
0x6f: {  	_ =	shalt  }
0x70: {  	_ =	shalt  }
0x71: {  	_ =	shalt  }
0x72: {  	_ =	shalt  }
0x73: {  	_ =	shalt  }
0x74: {  	_ =	shalt  }
0x75: {  	_ =	shalt  }
0x76: {  	_ =	shalt  }
0x77: {  	_ =	shalt  }
0x78: {  	_ =	shalt  }
0x79: {  	_ =	shalt  }
0x7a: {  	_ =	shalt  }
0x7b: {  	_ =	shalt  }
0x7c: {  	_ =	shalt  }
0x7d: {  	_ =	shalt  }
0x7e: {  	_ =	shalt  }
0x7f: {  	_ =	shalt  }
0x80: {  	_ =	shalt  }
0x81: {  	_ =	shalt  }
0x82: {  	_ =	shalt  }
0x83: {  	_ =	shalt  }
0x84: {  	_ =	shalt  }
0x85: {  	_ =	shalt  }
0x86: {  	_ =	shalt  }
0x87: {  	_ =	shalt  }
.Lfunc_end0:
.L_simem_size_0:
called_computation.1_lowered:
.L_overlay_start_0:
0x88: {  	s2 =	sld [smem:$0x3FD9]  }
0x89: {  	s3 =	sld [smem:$0x3FFE];
	_ =	sdelay $0x1  }
0x8a: {  	s1 =	srdreg.scid  }
0x8b: {  	s0 =	sand.u32 $0x1, s1  }
0x8c: {  	s16 =	sshll.u32 s0, $0xA;
	s2 =	sadd.s32 s3, s2  }
0x8d: {  	s2 =	sadd.s32 s2, s16  }
0x8e: {  	[smem:$0x3FAE] =	sst s2  }
0x8f: {  	_ = 	snop  }
0x90: {  	(tm) =	ssettm $0x1  }
0x91: {  	s17 =	sld [smem:$0x3FFB];
	_ =	sdelay $0x3  }
0x92: {  	_ =	strace s17  }
0x93: {  	s2 =	sld [smem:$0x3FFC];
	_ =	sdelay $0x3  }
0x94: {  	_ =	strace s2  }
0x95: {  	s2 =	sld [smem:$0x3FFD];
	_ =	sdelay $0x3  }
0x96: {  	_ =	strace s2  }
0x97: {  	_ =	strace $0x8FFFFFFF  }
0x98: {  	s18 =	sld [smem:$0x3FDB];
	_ =	sdelay $0x1  }
0x99: {  	s19 =	simm.s32 $_scs_section_size  }
0x9a: {  	s4 =	simm.s32 $_size__tile_overlayer_lowered;
	s5 =	simm.s32 $_tile_overlayer_lowered  }
0x9b: {  	s22 =	simm.s32 $0x1BFF;
	s21 =	sshll.u32 s5, $0x1;
	s2 =	sadd.s32 s19, s18  }
0x9c: {  	s6 =	simm.s32 $0x0;
	s20 =	sshll.u32 s4, $0x1;
	s4 =	sadd.s32 s21, s2  }
0x9d: {  	[timem:s6], [sflag:s22] =	dma.local [hbm:s4], s20  }
0x9e: {  	_ =	swait.ge [sflag:s22], s20  }
0x9f: {  	s3 =	ssub.s32 $0x0, s20;
	[sflag:s22] =	ssyncset.done $0x0  }
0xa0: {  	[sflag:s22] =	ssyncadd.s32 s3;
	_ =	sdelay $0x1  }
0xa1: {  	s23 =	simm.s32 $0x1B8B  }
0xa2: {  	_ =	swait.ge [sflag:s23], $0x1  }
0xa3: {  	[sflag:s23] =	ssyncset.done $0x0  }
0xa4: {  	s25 =	simm.s32 $0x1B8E;
	s24 =	sld [smem:$0x3FFE];
	[sflag:s23] =	ssyncadd.s32 $0xFFFFFFFF  }
0xa5: {  	s26 =	simm.s32 $execute0_lowered;
	[smem:$0x3FD2] =	sst s25  }
0xa6: {  	s4 =	sshll.u32 s26, $0x1;
	_ =	strace $0x80000049;
	[dreg:$0x1] =	wrdreg $0xFFFFFFFF  }
0xa7: {  	s28 =	simm.s32 $_size_execute0_lowered;
	s2 =	sadd.s32 s2, s4;
	[dreg:$0x0] =	wrdreg $0x0  }
0xa8: {  	s4 =	sshll.u32 s28, $0x1;
	[dreg:$0x2] =	wrdreg s2  }
0xa9: {  	[dreg:$0x3] =	wrdreg s4  }
0xaa: {  	[dreg:$0x4] =	wrdreg $0xC0  }
0xab: {  	_ =	task [dreg:s6], $0x5FFFF  }
0xac: {  	[dreg:$0x1] =	wrdreg $0xFFFFFFFF  }
0xad: {  	[dreg:$0x0] =	wrdreg $0x60  }
0xae: {  	[dreg:$0x2] =	wrdreg s24  }
0xaf: {  	[dreg:$0x3] =	wrdreg $0x9  }
0xb0: {  	_ =	task.clear_ibuf [dreg:s6], $0x4FFFF;
	_ =	strace $0x90000049  }
0xb1: {  	s29 =	simm.s32 $0x9;
	_ =	strace $0x8000004B  }
0xb2: {  	_ =	swait.ge [sflag:s29], $0x1  }
0xb3: {  	[sflag:s29] =	ssyncadd.s32 $0xFFFFFFFF  }
0xb4: {  	_ =	strace $0x9000004B  }
0xb5: {  	_ =	sfence  }
0xb6: {  	s30 =	sld [smem:$0x0];
	_ =	sdelay $0x2  }
0xb7: {  	s31 =	sshll.u32 s1, $0xD;
	s1 =	sshrl.u32 s1, $0x2  }
0xb8: {  	s3 =	sand.u32 $0x4000, s31;
	s1 =	sadd.s32 s1, s30  }
0xb9: {  	s0 =	sor.u32 s3, s0;
	s1 =	sshll.u32 s1, $0x11  }
0xba: {  	s0 =	sor.u32 s1, s0  }
0xbb: {  	s0 =	sadd.s32 $0x8F2B, s0  }
0xbc: {  	[sflag:s0] =	ssyncadd.remote.s32 $0x1  }
0xbd: {  	_ =	sfence.sel $0xFFFF  }
0xbe: {  	[dreg:$0x0] =	wrdreg $0xFFFFFFFF;
	(pc) =	sbr.abs _section_cstart, $3  }
0xbf: {  	[dreg:$0x1] =	wrdreg $0xFFFFFFFF  }
0xc0: {  	_ =	task.clear_ibuf [dreg:s6], $0x2FFFF;
	_ =	strace $0x9FFFFFFF  }
0xc1: {  	(tm) =	ssettm $0x7FFFFFFF  }
tec
execute0_lowered:
.L_overlay_start_1:
0x0: {  	(tag) =	ssettag $0x1  }
0x1: {  	s1 =	srdreg.scid  }
0x2: {  	s0 =	stileid.u32;
	s4 =	rddreg [dreg:$0x0]  }
0x3: {  	s2 =	simm.s32 $0x0;
	s11 =	simm.s32 $0xA0;
	s12 =	simm.s32 $0x6400  }
0x4: {  	s13 =	simm.s32 $0x1;
	s14 =	simm.s32 $0x2;
	s15 =	simm.s32 $0x1360  }
0x5: {  	s16 =	simm.s32 $0x0;
	s6 =	sand.u32 $0x1, s1;
	s1 =	rddreg [dreg:$0x1]  }
0x6: {  	s25 =	sshll.u32 s0, $0x1;
	[smem:$0x7FF] =	sst s2;
	s29 =	smul.u32 $0x28000, s0  }
0x7: {  	s5 =	sor.u32 s6, s25;
	s8 =	ssub.s32 $0x2, s6;
	s31 =	smul.u32 $0x14000, s6  }
0x8: {  	s9 =	sadd.s32 $0x28A00, s4;
	s3 =	smul.u32 $0x1400, s5;
	s26 =	sshrl.u32 s8, $0x1  }
0x9: {  	_ =	strace $0x8000004A;
	s10 =	smul.u32 $0x14000, s5;
	s28 =	ssub.s32 s8, s26  }
0xa: {  	s8 =	sadd.s32 s29, s9;
	s7 =	sshrl.u32 s3, $0x3;
	s3 =	sadd.s32 $0x3A00, s4  }
0xb: {  	s5 =	smax.u32 s28, $0x1;
	s30 =	sadd.s32 s9, s10;
	s8 =	sadd.s32 s31, s8  }
0xc: {  	s9 =	simm.s32 $0x3;
	s10 =	simm.s32 $0x1400;
	s7 =	sadd.s32 s7, s4  }
0xd: {  	s6 =	sadd.s32 $0x12C00, s30;
	s4 =	sadd.s32 $0x23A00, s7;
	s7 =	sadd.s32 $0x13600, s30  }
.LBB2_1:
0xe: {  	[tilespmem:s2], [sflag:$0x3] =	stream.linear.gather [hbm4b:s4+s2], $0x1400, $0x38;
	[tilespmem:$0xB400] =	vst v63  }
0xf: {  	_ =	swait.ge [sflag:s9], $0x1400  }
0x10: {  	[sflag:s9] =	ssyncset.done $0x0  }
0x11: {  	[sflag:s9] =	ssyncadd.s32 $0xFFFFEC00  }
0x12: {  	[tilespmem:s10], [sflag:$0x1] =	stream.indirect.gather [hbm4b:s3+s11], $0x80, s2, s11, $0xb8;
	[tilespmem:$0xB400] =	vst v63  }
0x13: {  	_ = 	snop  }
0x14: {  	[tilespmem:s12], [sflag:$0x2] =	stream.indirect.gather [hbm4b:s3+s11], $0x80, s11, s11, $0xb8;
	[tilespmem:$0xB400] =	vst v63  }
0x15: {  	_ =	swait.ge [sflag:s13], $0x5000  }
0x16: {  	[sflag:s13] =	ssyncset.done $0x0  }
0x17: {  	s17 =	sadd.s32 $0x0, s8;
	[sflag:s13] =	ssyncadd.s32 $0xFFFFB000  }
0x18: {  	[hbm4b:s17+s2] =	stream.linear.scatter [tilespmem:s10], [sflag:$0x3], $0x5000, $0x38;
	[tilespmem:$0xB400] =	vst v63  }
0x19: {  	_ =	swait.ge [sflag:s9], $0x5000  }
0x1a: {  	[sflag:s9] =	ssyncset.done $0x0  }
0x1b: {  	s18 =	simm.s32 $0x140;
	[sflag:s9] =	ssyncadd.s32 $0xFFFFB000  }
0x1c: {  	[tilespmem:s10], [sflag:$0x1] =	stream.indirect.gather [hbm4b:s3+s11], $0x80, s18, s11, $0xb8;
	[tilespmem:$0xB400] =	vst v63  }
0x1d: {  	_ =	swait.ge [sflag:s14], $0x5000  }
0x1e: {  	[sflag:s14] =	ssyncset.done $0x0  }
0x1f: {  	s17 =	sadd.s32 $0xA00, s17;
	[sflag:s14] =	ssyncadd.s32 $0xFFFFB000  }
0x20: {  	[hbm4b:s17+s2] =	stream.linear.scatter [tilespmem:s12], [sflag:$0x3], $0x5000, $0x38;
	[tilespmem:$0xB400] =	vst v63  }
0x21: {  	_ =	swait.ge [sflag:s9], $0x5000  }
0x22: {  	s18 =	simm.s32 $0xA0;
	s17 =	simm.s32 $0x1400;
	[sflag:s9] =	ssyncset.done $0x0  }
.LBB2_2:
0x23: {  	p0 =	sne.s32 s17, $0x11800;
	[sflag:s9] =	ssyncadd.s32 $0xFFFFB000;
	s18 =	sadd.s32 $0x140, s18  }
0x24: {  	[tilespmem:s12], [sflag:$0x2] =	stream.indirect.gather [hbm4b:s3+s11], $0x80, s18, s11, $0xb8;
	[tilespmem:$0xB400] =	vst v63  }
0x25: {  	s19 =	smov.u32 s17;
	s17 =	sadd.s32 $0x1400, s17;
	_ =	swait.ge [sflag:s13], $0x5000  }
0x26: {  	[sflag:s13] =	ssyncset.done $0x0  }
0x27: {  	s19 =	sadd.s32 s19, s8;
	[sflag:s13] =	ssyncadd.s32 $0xFFFFB000  }
0x28: {  	[hbm4b:s19+s2] =	stream.linear.scatter [tilespmem:s10], [sflag:$0x3], $0x5000, $0x38;
	[tilespmem:$0xB400] =	vst v63  }
0x29: {  	_ =	swait.ge [sflag:s9], $0x5000  }
0x2a: {  	[sflag:s9] =	ssyncset.done $0x0  }
0x2b: {  	s20 =	sadd.s32 $0xA0, s18;
	[sflag:s9] =	ssyncadd.s32 $0xFFFFB000  }
0x2c: {  	[tilespmem:s10], [sflag:$0x1] =	stream.indirect.gather [hbm4b:s3+s11], $0x80, s20, s11, $0xb8;
	[tilespmem:$0xB400] =	vst v63  }
0x2d: {  	_ =	swait.ge [sflag:s14], $0x5000  }
.Ltmp0:
0x2e: {  	[sflag:s14] =	ssyncset.done $0x0;
	(pc) =	sbr.rel @p0 .LBB2_2-.Ltmp0, $4  }
0x2f: {  	s19 =	sadd.s32 $0xA00, s19;
	[sflag:s14] =	ssyncadd.s32 $0xFFFFB000  }
0x30: {  	[hbm4b:s19+s2] =	stream.linear.scatter [tilespmem:s12], [sflag:$0x3], $0x5000, $0x38;
	[tilespmem:$0xB400] =	vst v63  }
0x31: {  	_ =	swait.ge [sflag:s9], $0x5000  }
0x32: {  	[sflag:s9] =	ssyncset.done $0x0  }
0x33: {  	[sflag:s9] =	ssyncadd.s32 $0xFFFFB000  }
0x34: {  	[tilespmem:s12], [sflag:$0x2] =	stream.indirect.gather [hbm4b:s3+s11], $0x80, s15, s11, $0xb8;
	[tilespmem:$0xB400] =	vst v63  }
0x35: {  	_ =	swait.ge [sflag:s13], $0x5000  }
0x36: {  	[sflag:s13] =	ssyncset.done $0x0  }
0x37: {  	[sflag:s13] =	ssyncadd.s32 $0xFFFFB000  }
0x38: {  	[hbm4b:s6+s2] =	stream.linear.scatter [tilespmem:s10], [sflag:$0x3], $0x5000, $0x38;
	[tilespmem:$0xB400] =	vst v63  }
0x39: {  	_ =	swait.ge [sflag:s9], $0x5000  }
0x3a: {  	[sflag:s9] =	ssyncset.done $0x0  }
0x3b: {  	[sflag:s9] =	ssyncadd.s32 $0xFFFFB000  }
0x3c: {  	s16 =	sadd.s32 $0x1, s16;
	_ =	swait.ge [sflag:s14], $0x5000  }
0x3d: {  	p0 =	sne.s32 s16, s5;
	[sflag:s14] =	ssyncset.done $0x0  }
.Ltmp1:
0x3e: {  	[sflag:s14] =	ssyncadd.s32 $0xFFFFB000;
	(pc) =	sbr.rel @p0 .LBB2_1-.Ltmp1, $4  }
0x3f: {  	[hbm4b:s7+s2] =	stream.linear.scatter [tilespmem:s12], [sflag:$0x3], $0x5000, $0x38;
	[tilespmem:$0xB400] =	vst v63  }
0x40: {  	_ =	swait.ge [sflag:s9], $0x5000  }
0x41: {  	[sflag:s9] =	ssyncset.done $0x0  }
0x42: {  	[sflag:s9] =	ssyncadd.s32 $0xFFFFB000  }
0x43: {  	_ =	sfence.sel $0x180000  }
0x44: {  	[bflag:$0x0] =	sbarrier.arrive $0xFFFF  }
0x45: {  	p0 =	sne.s32 s0, $0x0;
	_ =	strace $0x9000004A  }
0x46: {  	s0 =	sadd.s32 @!p0 $0x100000, s1;
	[bflag:$0x2] =	sbarrier.arrive $0xFFFF  }
0x47: {  	[sflag:s0] =	ssyncadd.tile.s32 @!p0 $0x1;
	_ =	shalt  }
.Lfunc_end2:
_tile_overlayer_lowered:
.L_overlay_start_2:
0x48: {  	(tag) =	ssettag $0x2  }
0x49: {  	s0 =	rddreg [dreg:$0x0];
	s2 =	stileid.u32  }
0x4a: {  	s1 =	rddreg [dreg:$0x1];
	p0 =	sne.s32 s2, $0x0  }
0x4b: {  	s3 =	rddreg [dreg:$0x2];
	[bflag:$0x3] =	sbarrier.arrive $0xFFFF;
	s2 =	simm.s32 @!p0 $0x1C03  }
0x4c: {  	[timem:s3], [sflag:s2] =	dma.local @!p0 [hbm:s0], s1  }
0x4d: {  	s0 =	simm.s32 @!p0 $0x3  }
0x4e: {  	_ =	swait.ge @!p0 [sflag:s0], s1  }
0x4f: {  	s1 =	ssub.s32 @!p0 $0x0, s1;
	[sflag:s0] =	ssyncset.done @!p0 $0x0  }
0x50: {  	[sflag:s0] =	ssyncadd.s32 @!p0 s1  }
0x51: {  	[bflag:$0x3] =	sbarrier.arrive $0xFFFF  }
0x52: {  	_ =	shalt  }

// kernel: kernel.25.cloned.1.call-start
scs
__scs_entry_jumppad:
0x0: {  	(pc) =	sbr.rel $0x88, $3  }
0x1: {  	(tag) =	ssettag $0x0;
	lr =	simm.s32 $0x1  }
0x2: {  	[smem:$0x3F87] =	sst lr;
	_ =	strace $0xD0000000  }
0x3: {  	_ = 	snop  }
0x4: {  	_ = 	snop  }
0x5: {  	_ = 	snop  }
0x6: {  	_ = 	snop  }
0x7: {  	_ = 	snop  }
__scs_overlays_trampoline_lowered:
0x8: {  	[smem:$0x3F96] =	sst s0  }
0x9: {  	[smem:$0x3F97] =	sst s1  }
0xa: {  	[smem:$0x3F98] =	sst s2  }
0xb: {  	[smem:$0x3F99] =	sst s3  }
0xc: {  	[smem:$0x3F9A] =	sst s4  }
0xd: {  	[smem:$0x3F9B] =	sst s5  }
0xe: {  	[smem:$0x3F9C] =	sst s6  }
0xf: {  	[smem:$0x3F9D] =	sst s7  }
0x10: {  	[smem:$0x3F9E] =	sst s8  }
0x11: {  	[smem:$0x3F9F] =	sst s9;
	s0 =	simm.s32 @!p0 $0x0  }
0x12: {  	s1 =	sld [smem:$0x3F85];
	s0 =	simm.s32 @p0 $0x1  }
0x13: {  	[smem:$0x3FA0] =	sst s0;
	s0 =	simm.s32 @!p1 $0x0  }
0x14: {  	s2 =	sld [smem:$0x3F84];
	s0 =	simm.s32 @p1 $0x1  }
0x15: {  	[smem:$0x3FA1] =	sst s0;
	s0 =	simm.s32 @!p2 $0x0  }
0x16: {  	s3 =	sld [smem:$0x3FDB];
	s0 =	simm.s32 @p2 $0x1  }
0x17: {  	s4 =	simm.s32 $0x1BF5;
	[smem:$0x3FA3] =	sst s0  }
0x18: {  	s0 =	sld [smem:$0x3F86];
	_ =	swait.ge [sflag:s4], $0x0  }
0x19: {  	s7 =	sld [smem:$0x3F87]  }
0x1a: {  	s8 =	sadd.s32 $0xFFFFE003, lr  }
0x1b: {  	s9 =	sadd.s32 $0xFFFFFEF7, lr;
	s5 =	simm.s32 $0xFFFFFFFF;
	p2 =	slt.u32 s8, $0xFFFFF086  }
0x1c: {  	p1 =	slt.u32 s9, $0xF7A;
	s5 =	simm.s32 @!p2 $0x0  }
0x1d: {  	s5 =	simm.s32 @p1 $0x1;
	p0 =	seq.s32 s7, s2  }
0x1e: {  	s7 =	smul.u32 @!p0 $0xF7A, s2;
	p2 =	seq.s32 @!p0 s5, $0x0  }
0x1f: {  	s9 =	smul.u32 $0xF7A, s1;
	s8 =	simm.s32 @!p0 $0x1BF5;
	p2 =	por !p2, p0  }
0x20: {  	[sflag:s8] =	ssyncset.s32 @!p0 $0xFFFFF086;
	s6 =	sadd.s32 @!p0 s3, s7;
	s7 =	simm.s32 @!p0 $0x108  }
0x21: {  	s3 =	sadd.s32 s3, s9;
	s6 =	sadd.s32 @!p0 $0x88, s6;
	s7 =	simm.s32 @p2 $0x1082  }
0x22: {  	[simem:s7], [sflag:s8] =	dma.local @!p0 [hbm:s6], $0xF7A  }
0x23: {  	s9 =	sor.u32 $0xD0000000, s2;
	s6 =	simm.s32 $0x108;
	_ =	swait.ge @!p0 [sflag:s8], $0x0  }
0x24: {  	s3 =	sadd.s32 $0x88, s3;
	s6 =	simm.s32 @!p1 $0x1082;
	[sflag:s4] =	ssyncset.s32 $0xFFFFF086  }
0x25: {  	[simem:s6], [sflag:s4] =	dma.local [hbm:s3], $0xF7A  }
0x26: {  	[smem:$0x3F87] =	sst s1;
	(tag) =	ssettag s2;
	_ =	strace s9  }
0x27: {  	s1 =	sld [smem:$0x3F97]  }
0x28: {  	s2 =	sld [smem:$0x3F98]  }
0x29: {  	s4 =	sld [smem:$0x3F9A]  }
0x2a: {  	p0 =	seq.s32 s5, $0x0;
	s5 =	sld [smem:$0x3F9B]  }
0x2b: {  	s6 =	sld [smem:$0x3F9C]  }
0x2c: {  	s7 =	sld [smem:$0x3F9D]  }
0x2d: {  	s3 =	simm.s32 $0x108;
	s8 =	sld [smem:$0x3F9E]  }
0x2e: {  	s3 =	simm.s32 @!p0 $0x1082;
	s9 =	sld [smem:$0x3F9F]  }
0x2f: {  	lr =	sadd.s32 s0, s3;
	s0 =	sld [smem:$0x3F96]  }
0x30: {  	s3 =	sld [smem:$0x3F99]  }
0x31: {  	[smem:$0x3FA2] =	sst s10  }
0x32: {  	s10 =	sld [smem:$0x3FA0];
	_ =	sdelay $0x3  }
0x33: {  	p0 =	seq.s32 s10, $0x1;
	s10 =	sld [smem:$0x3FA2];
	_ =	sdelay $0x3  }
0x34: {  	[smem:$0x3FA2] =	sst s10  }
0x35: {  	s10 =	sld [smem:$0x3FA1];
	_ =	sdelay $0x3  }
0x36: {  	p1 =	seq.s32 s10, $0x1;
	s10 =	sld [smem:$0x3FA2];
	_ =	sdelay $0x3  }
0x37: {  	[smem:$0x3FA2] =	sst s10  }
0x38: {  	s10 =	sld [smem:$0x3FA3]  }
0x39: {  	_ = 	snop;
	(pc) =	sbr.ind lr, $3  }
0x3a: {  	_ = 	snop  }
0x3b: {  	_ = 	snop  }
0x3c: {  	p2 =	seq.s32 s10, $0x1;
	s10 =	sld [smem:$0x3FA2]  }
0x3d: {  	_ =	shalt  }
0x3e: {  	_ =	shalt  }
0x3f: {  	_ =	shalt  }
0x40: {  	_ =	shalt  }
0x41: {  	_ =	shalt  }
0x42: {  	_ =	shalt  }
0x43: {  	_ =	shalt  }
0x44: {  	_ =	shalt  }
0x45: {  	_ =	shalt  }
0x46: {  	_ =	shalt  }
0x47: {  	_ =	shalt  }
0x48: {  	_ =	shalt  }
0x49: {  	_ =	shalt  }
0x4a: {  	_ =	shalt  }
0x4b: {  	_ =	shalt  }
0x4c: {  	_ =	shalt  }
0x4d: {  	_ =	shalt  }
0x4e: {  	_ =	shalt  }
0x4f: {  	_ =	shalt  }
0x50: {  	_ =	shalt  }
0x51: {  	_ =	shalt  }
0x52: {  	_ =	shalt  }
0x53: {  	_ =	shalt  }
0x54: {  	_ =	shalt  }
0x55: {  	_ =	shalt  }
0x56: {  	_ =	shalt  }
0x57: {  	_ =	shalt  }
0x58: {  	_ =	shalt  }
0x59: {  	_ =	shalt  }
0x5a: {  	_ =	shalt  }
0x5b: {  	_ =	shalt  }
0x5c: {  	_ =	shalt  }
0x5d: {  	_ =	shalt  }
0x5e: {  	_ =	shalt  }
0x5f: {  	_ =	shalt  }
0x60: {  	_ =	shalt  }
0x61: {  	_ =	shalt  }
0x62: {  	_ =	shalt  }
0x63: {  	_ =	shalt  }
0x64: {  	_ =	shalt  }
0x65: {  	_ =	shalt  }
0x66: {  	_ =	shalt  }
0x67: {  	_ =	shalt  }
0x68: {  	_ =	shalt  }
0x69: {  	_ =	shalt  }
0x6a: {  	_ =	shalt  }
0x6b: {  	_ =	shalt  }
0x6c: {  	_ =	shalt  }
0x6d: {  	_ =	shalt  }
0x6e: {  	_ =	shalt  }
0x6f: {  	_ =	shalt  }
0x70: {  	_ =	shalt  }
0x71: {  	_ =	shalt  }
0x72: {  	_ =	shalt  }
0x73: {  	_ =	shalt  }
0x74: {  	_ =	shalt  }
0x75: {  	_ =	shalt  }
0x76: {  	_ =	shalt  }
0x77: {  	_ =	shalt  }
0x78: {  	_ =	shalt  }
0x79: {  	_ =	shalt  }
0x7a: {  	_ =	shalt  }
0x7b: {  	_ =	shalt  }
0x7c: {  	_ =	shalt  }
0x7d: {  	_ =	shalt  }
0x7e: {  	_ =	shalt  }
0x7f: {  	_ =	shalt  }
0x80: {  	_ =	shalt  }
0x81: {  	_ =	shalt  }
0x82: {  	_ =	shalt  }
0x83: {  	_ =	shalt  }
0x84: {  	_ =	shalt  }
0x85: {  	_ =	shalt  }
0x86: {  	_ =	shalt  }
0x87: {  	_ =	shalt  }
.Lfunc_end0:
.L_simem_size_0:
called_computation.2_lowered:
.L_overlay_start_0:
0x88: {  	s2 =	sld [smem:$0x3FD9]  }
0x89: {  	s3 =	sld [smem:$0x3FFE];
	_ =	sdelay $0x1  }
0x8a: {  	s1 =	srdreg.scid  }
0x8b: {  	s0 =	sand.u32 $0x1, s1  }
0x8c: {  	s16 =	sshll.u32 s0, $0xA;
	s2 =	sadd.s32 s3, s2  }
0x8d: {  	s2 =	sadd.s32 s2, s16  }
0x8e: {  	[smem:$0x3FAE] =	sst s2  }
0x8f: {  	_ = 	snop  }
0x90: {  	(tm) =	ssettm $0x1  }
0x91: {  	s17 =	sld [smem:$0x3FFB];
	_ =	sdelay $0x3  }
0x92: {  	_ =	strace s17  }
0x93: {  	s2 =	sld [smem:$0x3FFC];
	_ =	sdelay $0x3  }
0x94: {  	_ =	strace s2  }
0x95: {  	s2 =	sld [smem:$0x3FFD];
	_ =	sdelay $0x3  }
0x96: {  	_ =	strace s2  }
0x97: {  	_ =	strace $0x8FFFFFFF  }
0x98: {  	s18 =	sld [smem:$0x3FDB];
	_ =	sdelay $0x1  }
0x99: {  	s19 =	simm.s32 $_scs_section_size  }
0x9a: {  	s4 =	simm.s32 $_size__tile_overlayer_lowered;
	s5 =	simm.s32 $_tile_overlayer_lowered  }
0x9b: {  	s22 =	simm.s32 $0x1BFF;
	s21 =	sshll.u32 s5, $0x1;
	s2 =	sadd.s32 s19, s18  }
0x9c: {  	s6 =	simm.s32 $0x0;
	s20 =	sshll.u32 s4, $0x1;
	s4 =	sadd.s32 s21, s2  }
0x9d: {  	[timem:s6], [sflag:s22] =	dma.local [hbm:s4], s20  }
0x9e: {  	_ =	swait.ge [sflag:s22], s20  }
0x9f: {  	s3 =	ssub.s32 $0x0, s20;
	[sflag:s22] =	ssyncset.done $0x0  }
0xa0: {  	[sflag:s22] =	ssyncadd.s32 s3;
	_ =	sdelay $0x1  }
0xa1: {  	s23 =	simm.s32 $0x1B8B  }
0xa2: {  	_ =	swait.ge [sflag:s23], $0x1  }
0xa3: {  	[sflag:s23] =	ssyncset.done $0x0  }
0xa4: {  	s25 =	simm.s32 $0x1B8E;
	s24 =	sld [smem:$0x3FFE];
	[sflag:s23] =	ssyncadd.s32 $0xFFFFFFFF  }
0xa5: {  	s26 =	simm.s32 $execute0_lowered;
	[smem:$0x3FD2] =	sst s25  }
0xa6: {  	s4 =	sshll.u32 s26, $0x1;
	_ =	strace $0x8000004C;
	[dreg:$0x1] =	wrdreg $0xFFFFFFFF  }
0xa7: {  	s28 =	simm.s32 $_size_execute0_lowered;
	s2 =	sadd.s32 s2, s4;
	[dreg:$0x0] =	wrdreg $0x0  }
0xa8: {  	s4 =	sshll.u32 s28, $0x1;
	[dreg:$0x2] =	wrdreg s2  }
0xa9: {  	[dreg:$0x3] =	wrdreg s4  }
0xaa: {  	[dreg:$0x4] =	wrdreg $0xC0  }
0xab: {  	_ =	task [dreg:s6], $0x5FFFF  }
0xac: {  	[dreg:$0x1] =	wrdreg $0xFFFFFFFF  }
0xad: {  	[dreg:$0x0] =	wrdreg $0x60  }
0xae: {  	[dreg:$0x2] =	wrdreg s24  }
0xaf: {  	[dreg:$0x3] =	wrdreg $0x9  }
0xb0: {  	_ =	task.clear_ibuf [dreg:s6], $0x4FFFF;
	_ =	strace $0x9000004C  }
0xb1: {  	s29 =	simm.s32 $0x9;
	_ =	strace $0x8000004E  }
0xb2: {  	_ =	swait.ge [sflag:s29], $0x1  }
0xb3: {  	[sflag:s29] =	ssyncadd.s32 $0xFFFFFFFF  }
0xb4: {  	_ =	strace $0x9000004E  }
0xb5: {  	_ =	sfence  }
0xb6: {  	s30 =	sld [smem:$0x0];
	_ =	sdelay $0x2  }
0xb7: {  	s31 =	sshll.u32 s1, $0xD;
	s1 =	sshrl.u32 s1, $0x2  }
0xb8: {  	s3 =	sand.u32 $0x4000, s31;
	s1 =	sadd.s32 s1, s30  }
0xb9: {  	s0 =	sor.u32 s3, s0;
	s1 =	sshll.u32 s1, $0x11  }
0xba: {  	s0 =	sor.u32 s1, s0  }
0xbb: {  	s0 =	sadd.s32 $0x8F2B, s0  }
0xbc: {  	[sflag:s0] =	ssyncadd.remote.s32 $0x1  }
0xbd: {  	_ =	sfence.sel $0xFFFF  }
0xbe: {  	[dreg:$0x0] =	wrdreg $0xFFFFFFFF;
	(pc) =	sbr.abs _section_cstart, $3  }
0xbf: {  	[dreg:$0x1] =	wrdreg $0xFFFFFFFF  }
0xc0: {  	_ =	task.clear_ibuf [dreg:s6], $0x2FFFF;
	_ =	strace $0x9FFFFFFF  }
0xc1: {  	(tm) =	ssettm $0x7FFFFFFF  }
tec
execute0_lowered:
.L_overlay_start_1:
0x0: {  	(tag) =	ssettag $0x1  }
0x1: {  	s1 =	srdreg.scid  }
0x2: {  	s0 =	stileid.u32;
	s4 =	rddreg [dreg:$0x0]  }
0x3: {  	s2 =	simm.s32 $0x0;
	s11 =	simm.s32 $0xA0;
	s12 =	simm.s32 $0x6400  }
0x4: {  	s13 =	simm.s32 $0x1;
	s14 =	simm.s32 $0x2;
	s15 =	simm.s32 $0x1360  }
0x5: {  	s16 =	simm.s32 $0x0;
	s6 =	sand.u32 $0x1, s1;
	s1 =	rddreg [dreg:$0x1]  }
0x6: {  	s25 =	sshll.u32 s0, $0x1;
	[smem:$0x7FF] =	sst s2;
	s29 =	smul.u32 $0x28000, s0  }
0x7: {  	s5 =	sor.u32 s6, s25;
	s8 =	ssub.s32 $0x2, s6;
	s31 =	smul.u32 $0x14000, s6  }
0x8: {  	s9 =	sadd.s32 $0x48A00, s4;
	s3 =	smul.u32 $0x1400, s5;
	s26 =	sshrl.u32 s8, $0x1  }
0x9: {  	_ =	strace $0x8000004D;
	s10 =	smul.u32 $0x14000, s5;
	s28 =	ssub.s32 s8, s26  }
0xa: {  	s8 =	sadd.s32 s29, s9;
	s7 =	sshrl.u32 s3, $0x3;
	s3 =	sadd.s32 $0x23A00, s4  }
0xb: {  	s5 =	smax.u32 s28, $0x1;
	s30 =	sadd.s32 s9, s10;
	s8 =	sadd.s32 s31, s8  }
0xc: {  	s9 =	simm.s32 $0x3;
	s10 =	simm.s32 $0x1400;
	s7 =	sadd.s32 s7, s4  }
0xd: {  	s6 =	sadd.s32 $0x12C00, s30;
	s4 =	sadd.s32 $0x43A00, s7;
	s7 =	sadd.s32 $0x13600, s30  }
.LBB2_1:
0xe: {  	[tilespmem:s2], [sflag:$0x3] =	stream.linear.gather [hbm4b:s4+s2], $0x1400, $0x38;
	[tilespmem:$0xB400] =	vst v63  }
0xf: {  	_ =	swait.ge [sflag:s9], $0x1400  }
0x10: {  	[sflag:s9] =	ssyncset.done $0x0  }
0x11: {  	[sflag:s9] =	ssyncadd.s32 $0xFFFFEC00  }
0x12: {  	[tilespmem:s10], [sflag:$0x1] =	stream.indirect.gather [hbm4b:s3+s11], $0x80, s2, s11, $0xb8;
	[tilespmem:$0xB400] =	vst v63  }
0x13: {  	_ = 	snop  }
0x14: {  	[tilespmem:s12], [sflag:$0x2] =	stream.indirect.gather [hbm4b:s3+s11], $0x80, s11, s11, $0xb8;
	[tilespmem:$0xB400] =	vst v63  }
0x15: {  	_ =	swait.ge [sflag:s13], $0x5000  }
0x16: {  	[sflag:s13] =	ssyncset.done $0x0  }
0x17: {  	s17 =	sadd.s32 $0x0, s8;
	[sflag:s13] =	ssyncadd.s32 $0xFFFFB000  }
0x18: {  	[hbm4b:s17+s2] =	stream.linear.scatter [tilespmem:s10], [sflag:$0x3], $0x5000, $0x38;
	[tilespmem:$0xB400] =	vst v63  }
0x19: {  	_ =	swait.ge [sflag:s9], $0x5000  }
0x1a: {  	[sflag:s9] =	ssyncset.done $0x0  }
0x1b: {  	s18 =	simm.s32 $0x140;
	[sflag:s9] =	ssyncadd.s32 $0xFFFFB000  }
0x1c: {  	[tilespmem:s10], [sflag:$0x1] =	stream.indirect.gather [hbm4b:s3+s11], $0x80, s18, s11, $0xb8;
	[tilespmem:$0xB400] =	vst v63  }
0x1d: {  	_ =	swait.ge [sflag:s14], $0x5000  }
0x1e: {  	[sflag:s14] =	ssyncset.done $0x0  }
0x1f: {  	s17 =	sadd.s32 $0xA00, s17;
	[sflag:s14] =	ssyncadd.s32 $0xFFFFB000  }
0x20: {  	[hbm4b:s17+s2] =	stream.linear.scatter [tilespmem:s12], [sflag:$0x3], $0x5000, $0x38;
	[tilespmem:$0xB400] =	vst v63  }
0x21: {  	_ =	swait.ge [sflag:s9], $0x5000  }
0x22: {  	s18 =	simm.s32 $0xA0;
	s17 =	simm.s32 $0x1400;
	[sflag:s9] =	ssyncset.done $0x0  }
.LBB2_2:
0x23: {  	p0 =	sne.s32 s17, $0x11800;
	[sflag:s9] =	ssyncadd.s32 $0xFFFFB000;
	s18 =	sadd.s32 $0x140, s18  }
0x24: {  	[tilespmem:s12], [sflag:$0x2] =	stream.indirect.gather [hbm4b:s3+s11], $0x80, s18, s11, $0xb8;
	[tilespmem:$0xB400] =	vst v63  }
0x25: {  	s19 =	smov.u32 s17;
	s17 =	sadd.s32 $0x1400, s17;
	_ =	swait.ge [sflag:s13], $0x5000  }
0x26: {  	[sflag:s13] =	ssyncset.done $0x0  }
0x27: {  	s19 =	sadd.s32 s19, s8;
	[sflag:s13] =	ssyncadd.s32 $0xFFFFB000  }
0x28: {  	[hbm4b:s19+s2] =	stream.linear.scatter [tilespmem:s10], [sflag:$0x3], $0x5000, $0x38;
	[tilespmem:$0xB400] =	vst v63  }
0x29: {  	_ =	swait.ge [sflag:s9], $0x5000  }
0x2a: {  	[sflag:s9] =	ssyncset.done $0x0  }
0x2b: {  	s20 =	sadd.s32 $0xA0, s18;
	[sflag:s9] =	ssyncadd.s32 $0xFFFFB000  }
0x2c: {  	[tilespmem:s10], [sflag:$0x1] =	stream.indirect.gather [hbm4b:s3+s11], $0x80, s20, s11, $0xb8;
	[tilespmem:$0xB400] =	vst v63  }
0x2d: {  	_ =	swait.ge [sflag:s14], $0x5000  }
.Ltmp0:
0x2e: {  	[sflag:s14] =	ssyncset.done $0x0;
	(pc) =	sbr.rel @p0 .LBB2_2-.Ltmp0, $4  }
0x2f: {  	s19 =	sadd.s32 $0xA00, s19;
	[sflag:s14] =	ssyncadd.s32 $0xFFFFB000  }
0x30: {  	[hbm4b:s19+s2] =	stream.linear.scatter [tilespmem:s12], [sflag:$0x3], $0x5000, $0x38;
	[tilespmem:$0xB400] =	vst v63  }
0x31: {  	_ =	swait.ge [sflag:s9], $0x5000  }
0x32: {  	[sflag:s9] =	ssyncset.done $0x0  }
0x33: {  	[sflag:s9] =	ssyncadd.s32 $0xFFFFB000  }
0x34: {  	[tilespmem:s12], [sflag:$0x2] =	stream.indirect.gather [hbm4b:s3+s11], $0x80, s15, s11, $0xb8;
	[tilespmem:$0xB400] =	vst v63  }
0x35: {  	_ =	swait.ge [sflag:s13], $0x5000  }
0x36: {  	[sflag:s13] =	ssyncset.done $0x0  }
0x37: {  	[sflag:s13] =	ssyncadd.s32 $0xFFFFB000  }
0x38: {  	[hbm4b:s6+s2] =	stream.linear.scatter [tilespmem:s10], [sflag:$0x3], $0x5000, $0x38;
	[tilespmem:$0xB400] =	vst v63  }
0x39: {  	_ =	swait.ge [sflag:s9], $0x5000  }
0x3a: {  	[sflag:s9] =	ssyncset.done $0x0  }
0x3b: {  	[sflag:s9] =	ssyncadd.s32 $0xFFFFB000  }
0x3c: {  	s16 =	sadd.s32 $0x1, s16;
	_ =	swait.ge [sflag:s14], $0x5000  }
0x3d: {  	p0 =	sne.s32 s16, s5;
	[sflag:s14] =	ssyncset.done $0x0  }
.Ltmp1:
0x3e: {  	[sflag:s14] =	ssyncadd.s32 $0xFFFFB000;
	(pc) =	sbr.rel @p0 .LBB2_1-.Ltmp1, $4  }
0x3f: {  	[hbm4b:s7+s2] =	stream.linear.scatter [tilespmem:s12], [sflag:$0x3], $0x5000, $0x38;
	[tilespmem:$0xB400] =	vst v63  }
0x40: {  	_ =	swait.ge [sflag:s9], $0x5000  }
0x41: {  	[sflag:s9] =	ssyncset.done $0x0  }
0x42: {  	[sflag:s9] =	ssyncadd.s32 $0xFFFFB000  }
0x43: {  	_ =	sfence.sel $0x180000  }
0x44: {  	[bflag:$0x0] =	sbarrier.arrive $0xFFFF  }
0x45: {  	p0 =	sne.s32 s0, $0x0;
	_ =	strace $0x9000004D  }
0x46: {  	s0 =	sadd.s32 @!p0 $0x100000, s1;
	[bflag:$0x2] =	sbarrier.arrive $0xFFFF  }
0x47: {  	[sflag:s0] =	ssyncadd.tile.s32 @!p0 $0x1;
	_ =	shalt  }
.Lfunc_end2:
_tile_overlayer_lowered:
.L_overlay_start_2:
0x48: {  	(tag) =	ssettag $0x2  }
0x49: {  	s0 =	rddreg [dreg:$0x0];
	s2 =	stileid.u32  }
0x4a: {  	s1 =	rddreg [dreg:$0x1];
	p0 =	sne.s32 s2, $0x0  }
0x4b: {  	s3 =	rddreg [dreg:$0x2];
	[bflag:$0x3] =	sbarrier.arrive $0xFFFF;
	s2 =	simm.s32 @!p0 $0x1C03  }
0x4c: {  	[timem:s3], [sflag:s2] =	dma.local @!p0 [hbm:s0], s1  }
0x4d: {  	s0 =	simm.s32 @!p0 $0x3  }
0x4e: {  	_ =	swait.ge @!p0 [sflag:s0], s1  }
0x4f: {  	s1 =	ssub.s32 @!p0 $0x0, s1;
	[sflag:s0] =	ssyncset.done @!p0 $0x0  }
0x50: {  	[sflag:s0] =	ssyncadd.s32 @!p0 s1  }
0x51: {  	[bflag:$0x3] =	sbarrier.arrive $0xFFFF  }
0x52: {  	_ =	shalt  }

// kernel: kernel.28.cloned.1.call-start
scs
__scs_entry_jumppad:
0x0: {  	(pc) =	sbr.rel $0x88, $3  }
0x1: {  	(tag) =	ssettag $0x0;
	lr =	simm.s32 $0x1  }
0x2: {  	[smem:$0x3F87] =	sst lr;
	_ =	strace $0xD0000000  }
0x3: {  	_ = 	snop  }
0x4: {  	_ = 	snop  }
0x5: {  	_ = 	snop  }
0x6: {  	_ = 	snop  }
0x7: {  	_ = 	snop  }
__scs_overlays_trampoline_lowered:
0x8: {  	[smem:$0x3F96] =	sst s0  }
0x9: {  	[smem:$0x3F97] =	sst s1  }
0xa: {  	[smem:$0x3F98] =	sst s2  }
0xb: {  	[smem:$0x3F99] =	sst s3  }
0xc: {  	[smem:$0x3F9A] =	sst s4  }
0xd: {  	[smem:$0x3F9B] =	sst s5  }
0xe: {  	[smem:$0x3F9C] =	sst s6  }
0xf: {  	[smem:$0x3F9D] =	sst s7  }
0x10: {  	[smem:$0x3F9E] =	sst s8  }
0x11: {  	[smem:$0x3F9F] =	sst s9;
	s0 =	simm.s32 @!p0 $0x0  }
0x12: {  	s1 =	sld [smem:$0x3F85];
	s0 =	simm.s32 @p0 $0x1  }
0x13: {  	[smem:$0x3FA0] =	sst s0;
	s0 =	simm.s32 @!p1 $0x0  }
0x14: {  	s2 =	sld [smem:$0x3F84];
	s0 =	simm.s32 @p1 $0x1  }
0x15: {  	[smem:$0x3FA1] =	sst s0;
	s0 =	simm.s32 @!p2 $0x0  }
0x16: {  	s3 =	sld [smem:$0x3FDB];
	s0 =	simm.s32 @p2 $0x1  }
0x17: {  	s4 =	simm.s32 $0x1BF5;
	[smem:$0x3FA3] =	sst s0  }
0x18: {  	s0 =	sld [smem:$0x3F86];
	_ =	swait.ge [sflag:s4], $0x0  }
0x19: {  	s7 =	sld [smem:$0x3F87]  }
0x1a: {  	s8 =	sadd.s32 $0xFFFFE003, lr  }
0x1b: {  	s9 =	sadd.s32 $0xFFFFFEF7, lr;
	s5 =	simm.s32 $0xFFFFFFFF;
	p2 =	slt.u32 s8, $0xFFFFF086  }
0x1c: {  	p1 =	slt.u32 s9, $0xF7A;
	s5 =	simm.s32 @!p2 $0x0  }
0x1d: {  	s5 =	simm.s32 @p1 $0x1;
	p0 =	seq.s32 s7, s2  }
0x1e: {  	s7 =	smul.u32 @!p0 $0xF7A, s2;
	p2 =	seq.s32 @!p0 s5, $0x0  }
0x1f: {  	s9 =	smul.u32 $0xF7A, s1;
	s8 =	simm.s32 @!p0 $0x1BF5;
	p2 =	por !p2, p0  }
0x20: {  	[sflag:s8] =	ssyncset.s32 @!p0 $0xFFFFF086;
	s6 =	sadd.s32 @!p0 s3, s7;
	s7 =	simm.s32 @!p0 $0x108  }
0x21: {  	s3 =	sadd.s32 s3, s9;
	s6 =	sadd.s32 @!p0 $0x88, s6;
	s7 =	simm.s32 @p2 $0x1082  }
0x22: {  	[simem:s7], [sflag:s8] =	dma.local @!p0 [hbm:s6], $0xF7A  }
0x23: {  	s9 =	sor.u32 $0xD0000000, s2;
	s6 =	simm.s32 $0x108;
	_ =	swait.ge @!p0 [sflag:s8], $0x0  }
0x24: {  	s3 =	sadd.s32 $0x88, s3;
	s6 =	simm.s32 @!p1 $0x1082;
	[sflag:s4] =	ssyncset.s32 $0xFFFFF086  }
0x25: {  	[simem:s6], [sflag:s4] =	dma.local [hbm:s3], $0xF7A  }
0x26: {  	[smem:$0x3F87] =	sst s1;
	(tag) =	ssettag s2;
	_ =	strace s9  }
0x27: {  	s1 =	sld [smem:$0x3F97]  }
0x28: {  	s2 =	sld [smem:$0x3F98]  }
0x29: {  	s4 =	sld [smem:$0x3F9A]  }
0x2a: {  	p0 =	seq.s32 s5, $0x0;
	s5 =	sld [smem:$0x3F9B]  }
0x2b: {  	s6 =	sld [smem:$0x3F9C]  }
0x2c: {  	s7 =	sld [smem:$0x3F9D]  }
0x2d: {  	s3 =	simm.s32 $0x108;
	s8 =	sld [smem:$0x3F9E]  }
0x2e: {  	s3 =	simm.s32 @!p0 $0x1082;
	s9 =	sld [smem:$0x3F9F]  }
0x2f: {  	lr =	sadd.s32 s0, s3;
	s0 =	sld [smem:$0x3F96]  }
0x30: {  	s3 =	sld [smem:$0x3F99]  }
0x31: {  	[smem:$0x3FA2] =	sst s10  }
0x32: {  	s10 =	sld [smem:$0x3FA0];
	_ =	sdelay $0x3  }
0x33: {  	p0 =	seq.s32 s10, $0x1;
	s10 =	sld [smem:$0x3FA2];
	_ =	sdelay $0x3  }
0x34: {  	[smem:$0x3FA2] =	sst s10  }
0x35: {  	s10 =	sld [smem:$0x3FA1];
	_ =	sdelay $0x3  }
0x36: {  	p1 =	seq.s32 s10, $0x1;
	s10 =	sld [smem:$0x3FA2];
	_ =	sdelay $0x3  }
0x37: {  	[smem:$0x3FA2] =	sst s10  }
0x38: {  	s10 =	sld [smem:$0x3FA3]  }
0x39: {  	_ = 	snop;
	(pc) =	sbr.ind lr, $3  }
0x3a: {  	_ = 	snop  }
0x3b: {  	_ = 	snop  }
0x3c: {  	p2 =	seq.s32 s10, $0x1;
	s10 =	sld [smem:$0x3FA2]  }
0x3d: {  	_ =	shalt  }
0x3e: {  	_ =	shalt  }
0x3f: {  	_ =	shalt  }
0x40: {  	_ =	shalt  }
0x41: {  	_ =	shalt  }
0x42: {  	_ =	shalt  }
0x43: {  	_ =	shalt  }
0x44: {  	_ =	shalt  }
0x45: {  	_ =	shalt  }
0x46: {  	_ =	shalt  }
0x47: {  	_ =	shalt  }
0x48: {  	_ =	shalt  }
0x49: {  	_ =	shalt  }
0x4a: {  	_ =	shalt  }
0x4b: {  	_ =	shalt  }
0x4c: {  	_ =	shalt  }
0x4d: {  	_ =	shalt  }
0x4e: {  	_ =	shalt  }
0x4f: {  	_ =	shalt  }
0x50: {  	_ =	shalt  }
0x51: {  	_ =	shalt  }
0x52: {  	_ =	shalt  }
0x53: {  	_ =	shalt  }
0x54: {  	_ =	shalt  }
0x55: {  	_ =	shalt  }
0x56: {  	_ =	shalt  }
0x57: {  	_ =	shalt  }
0x58: {  	_ =	shalt  }
0x59: {  	_ =	shalt  }
0x5a: {  	_ =	shalt  }
0x5b: {  	_ =	shalt  }
0x5c: {  	_ =	shalt  }
0x5d: {  	_ =	shalt  }
0x5e: {  	_ =	shalt  }
0x5f: {  	_ =	shalt  }
0x60: {  	_ =	shalt  }
0x61: {  	_ =	shalt  }
0x62: {  	_ =	shalt  }
0x63: {  	_ =	shalt  }
0x64: {  	_ =	shalt  }
0x65: {  	_ =	shalt  }
0x66: {  	_ =	shalt  }
0x67: {  	_ =	shalt  }
0x68: {  	_ =	shalt  }
0x69: {  	_ =	shalt  }
0x6a: {  	_ =	shalt  }
0x6b: {  	_ =	shalt  }
0x6c: {  	_ =	shalt  }
0x6d: {  	_ =	shalt  }
0x6e: {  	_ =	shalt  }
0x6f: {  	_ =	shalt  }
0x70: {  	_ =	shalt  }
0x71: {  	_ =	shalt  }
0x72: {  	_ =	shalt  }
0x73: {  	_ =	shalt  }
0x74: {  	_ =	shalt  }
0x75: {  	_ =	shalt  }
0x76: {  	_ =	shalt  }
0x77: {  	_ =	shalt  }
0x78: {  	_ =	shalt  }
0x79: {  	_ =	shalt  }
0x7a: {  	_ =	shalt  }
0x7b: {  	_ =	shalt  }
0x7c: {  	_ =	shalt  }
0x7d: {  	_ =	shalt  }
0x7e: {  	_ =	shalt  }
0x7f: {  	_ =	shalt  }
0x80: {  	_ =	shalt  }
0x81: {  	_ =	shalt  }
0x82: {  	_ =	shalt  }
0x83: {  	_ =	shalt  }
0x84: {  	_ =	shalt  }
0x85: {  	_ =	shalt  }
0x86: {  	_ =	shalt  }
0x87: {  	_ =	shalt  }
.Lfunc_end0:
.L_simem_size_0:
called_computation.3_lowered:
.L_overlay_start_0:
0x88: {  	s2 =	sld [smem:$0x3FD9]  }
0x89: {  	s3 =	sld [smem:$0x3FFE];
	_ =	sdelay $0x1  }
0x8a: {  	s1 =	srdreg.scid  }
0x8b: {  	s0 =	sand.u32 $0x1, s1  }
0x8c: {  	s16 =	sshll.u32 s0, $0xA;
	s2 =	sadd.s32 s3, s2  }
0x8d: {  	s2 =	sadd.s32 s2, s16  }
0x8e: {  	[smem:$0x3FAE] =	sst s2  }
0x8f: {  	_ = 	snop  }
0x90: {  	(tm) =	ssettm $0x1  }
0x91: {  	s17 =	sld [smem:$0x3FFB];
	_ =	sdelay $0x3  }
0x92: {  	_ =	strace s17  }
0x93: {  	s2 =	sld [smem:$0x3FFC];
	_ =	sdelay $0x3  }
0x94: {  	_ =	strace s2  }
0x95: {  	s2 =	sld [smem:$0x3FFD];
	_ =	sdelay $0x3  }
0x96: {  	_ =	strace s2  }
0x97: {  	_ =	strace $0x8FFFFFFF  }
0x98: {  	s18 =	sld [smem:$0x3FDB];
	_ =	sdelay $0x1  }
0x99: {  	s19 =	simm.s32 $_scs_section_size  }
0x9a: {  	s4 =	simm.s32 $_size__tile_overlayer_lowered;
	s5 =	simm.s32 $_tile_overlayer_lowered  }
0x9b: {  	s22 =	simm.s32 $0x1BFF;
	s21 =	sshll.u32 s5, $0x1;
	s2 =	sadd.s32 s19, s18  }
0x9c: {  	s6 =	simm.s32 $0x0;
	s20 =	sshll.u32 s4, $0x1;
	s4 =	sadd.s32 s21, s2  }
0x9d: {  	[timem:s6], [sflag:s22] =	dma.local [hbm:s4], s20  }
0x9e: {  	_ =	swait.ge [sflag:s22], s20  }
0x9f: {  	s3 =	ssub.s32 $0x0, s20;
	[sflag:s22] =	ssyncset.done $0x0  }
0xa0: {  	[sflag:s22] =	ssyncadd.s32 s3;
	_ =	sdelay $0x1  }
0xa1: {  	s23 =	simm.s32 $0x1B8B  }
0xa2: {  	_ =	swait.ge [sflag:s23], $0x1  }
0xa3: {  	[sflag:s23] =	ssyncset.done $0x0  }
0xa4: {  	s25 =	simm.s32 $0x1B8E;
	s24 =	sld [smem:$0x3FFE];
	[sflag:s23] =	ssyncadd.s32 $0xFFFFFFFF  }
0xa5: {  	s26 =	simm.s32 $execute0_lowered;
	[smem:$0x3FD2] =	sst s25  }
0xa6: {  	s4 =	sshll.u32 s26, $0x1;
	_ =	strace $0x8000004F;
	[dreg:$0x1] =	wrdreg $0xFFFFFFFF  }
0xa7: {  	s28 =	simm.s32 $_size_execute0_lowered;
	s2 =	sadd.s32 s2, s4;
	[dreg:$0x0] =	wrdreg $0x0  }
0xa8: {  	s4 =	sshll.u32 s28, $0x1;
	[dreg:$0x2] =	wrdreg s2  }
0xa9: {  	[dreg:$0x3] =	wrdreg s4  }
0xaa: {  	[dreg:$0x4] =	wrdreg $0xC0  }
0xab: {  	_ =	task [dreg:s6], $0x5FFFF  }
0xac: {  	[dreg:$0x1] =	wrdreg $0xFFFFFFFF  }
0xad: {  	[dreg:$0x0] =	wrdreg $0x60  }
0xae: {  	[dreg:$0x2] =	wrdreg s24  }
0xaf: {  	[dreg:$0x3] =	wrdreg $0x9  }
0xb0: {  	_ =	task.clear_ibuf [dreg:s6], $0x4FFFF;
	_ =	strace $0x9000004F  }
0xb1: {  	s29 =	simm.s32 $0x9;
	_ =	strace $0x80000051  }
0xb2: {  	_ =	swait.ge [sflag:s29], $0x1  }
0xb3: {  	[sflag:s29] =	ssyncadd.s32 $0xFFFFFFFF  }
0xb4: {  	_ =	strace $0x90000051  }
0xb5: {  	_ =	sfence  }
0xb6: {  	s30 =	sld [smem:$0x0];
	_ =	sdelay $0x2  }
0xb7: {  	s31 =	sshll.u32 s1, $0xD;
	s1 =	sshrl.u32 s1, $0x2  }
0xb8: {  	s3 =	sand.u32 $0x4000, s31;
	s1 =	sadd.s32 s1, s30  }
0xb9: {  	s0 =	sor.u32 s3, s0;
	s1 =	sshll.u32 s1, $0x11  }
0xba: {  	s0 =	sor.u32 s1, s0  }
0xbb: {  	s0 =	sadd.s32 $0x8F2B, s0  }
0xbc: {  	[sflag:s0] =	ssyncadd.remote.s32 $0x1  }
0xbd: {  	_ =	sfence.sel $0xFFFF  }
0xbe: {  	[dreg:$0x0] =	wrdreg $0xFFFFFFFF;
	(pc) =	sbr.abs _section_cstart, $3  }
0xbf: {  	[dreg:$0x1] =	wrdreg $0xFFFFFFFF  }
0xc0: {  	_ =	task.clear_ibuf [dreg:s6], $0x2FFFF;
	_ =	strace $0x9FFFFFFF  }
0xc1: {  	(tm) =	ssettm $0x7FFFFFFF  }
tec
execute0_lowered:
.L_overlay_start_1:
0x0: {  	(tag) =	ssettag $0x1  }
0x1: {  	s1 =	srdreg.scid  }
0x2: {  	s0 =	stileid.u32;
	s4 =	rddreg [dreg:$0x0]  }
0x3: {  	s2 =	simm.s32 $0x0;
	s11 =	simm.s32 $0xA0;
	s12 =	simm.s32 $0x6400  }
0x4: {  	s13 =	simm.s32 $0x1;
	s14 =	simm.s32 $0x2;
	s15 =	simm.s32 $0x1360  }
0x5: {  	s16 =	simm.s32 $0x0;
	s6 =	sand.u32 $0x1, s1;
	s1 =	rddreg [dreg:$0x1]  }
0x6: {  	s25 =	sshll.u32 s0, $0x1;
	[smem:$0x7FF] =	sst s2;
	s29 =	smul.u32 $0x28000, s0  }
0x7: {  	s5 =	sor.u32 s6, s25;
	s8 =	ssub.s32 $0x2, s6;
	s31 =	smul.u32 $0x14000, s6  }
0x8: {  	s9 =	sadd.s32 $0x68A00, s4;
	s3 =	smul.u32 $0x1400, s5;
	s26 =	sshrl.u32 s8, $0x1  }
0x9: {  	_ =	strace $0x80000050;
	s10 =	smul.u32 $0x14000, s5;
	s28 =	ssub.s32 s8, s26  }
0xa: {  	s8 =	sadd.s32 s29, s9;
	s7 =	sshrl.u32 s3, $0x3;
	s3 =	sadd.s32 $0x43A00, s4  }
0xb: {  	s5 =	smax.u32 s28, $0x1;
	s30 =	sadd.s32 s9, s10;
	s8 =	sadd.s32 s31, s8  }
0xc: {  	s9 =	simm.s32 $0x3;
	s10 =	simm.s32 $0x1400;
	s7 =	sadd.s32 s7, s4  }
0xd: {  	s6 =	sadd.s32 $0x12C00, s30;
	s4 =	sadd.s32 $0x63A00, s7;
	s7 =	sadd.s32 $0x13600, s30  }
.LBB2_1:
0xe: {  	[tilespmem:s2], [sflag:$0x3] =	stream.linear.gather [hbm4b:s4+s2], $0x1400, $0x38;
	[tilespmem:$0xB400] =	vst v63  }
0xf: {  	_ =	swait.ge [sflag:s9], $0x1400  }
0x10: {  	[sflag:s9] =	ssyncset.done $0x0  }
0x11: {  	[sflag:s9] =	ssyncadd.s32 $0xFFFFEC00  }
0x12: {  	[tilespmem:s10], [sflag:$0x1] =	stream.indirect.gather [hbm4b:s3+s11], $0x80, s2, s11, $0xb8;
	[tilespmem:$0xB400] =	vst v63  }
0x13: {  	_ = 	snop  }
0x14: {  	[tilespmem:s12], [sflag:$0x2] =	stream.indirect.gather [hbm4b:s3+s11], $0x80, s11, s11, $0xb8;
	[tilespmem:$0xB400] =	vst v63  }
0x15: {  	_ =	swait.ge [sflag:s13], $0x5000  }
0x16: {  	[sflag:s13] =	ssyncset.done $0x0  }
0x17: {  	s17 =	sadd.s32 $0x0, s8;
	[sflag:s13] =	ssyncadd.s32 $0xFFFFB000  }
0x18: {  	[hbm4b:s17+s2] =	stream.linear.scatter [tilespmem:s10], [sflag:$0x3], $0x5000, $0x38;
	[tilespmem:$0xB400] =	vst v63  }
0x19: {  	_ =	swait.ge [sflag:s9], $0x5000  }
0x1a: {  	[sflag:s9] =	ssyncset.done $0x0  }
0x1b: {  	s18 =	simm.s32 $0x140;
	[sflag:s9] =	ssyncadd.s32 $0xFFFFB000  }
0x1c: {  	[tilespmem:s10], [sflag:$0x1] =	stream.indirect.gather [hbm4b:s3+s11], $0x80, s18, s11, $0xb8;
	[tilespmem:$0xB400] =	vst v63  }
0x1d: {  	_ =	swait.ge [sflag:s14], $0x5000  }
0x1e: {  	[sflag:s14] =	ssyncset.done $0x0  }
0x1f: {  	s17 =	sadd.s32 $0xA00, s17;
	[sflag:s14] =	ssyncadd.s32 $0xFFFFB000  }
0x20: {  	[hbm4b:s17+s2] =	stream.linear.scatter [tilespmem:s12], [sflag:$0x3], $0x5000, $0x38;
	[tilespmem:$0xB400] =	vst v63  }
0x21: {  	_ =	swait.ge [sflag:s9], $0x5000  }
0x22: {  	s18 =	simm.s32 $0xA0;
	s17 =	simm.s32 $0x1400;
	[sflag:s9] =	ssyncset.done $0x0  }
.LBB2_2:
0x23: {  	p0 =	sne.s32 s17, $0x11800;
	[sflag:s9] =	ssyncadd.s32 $0xFFFFB000;
	s18 =	sadd.s32 $0x140, s18  }
0x24: {  	[tilespmem:s12], [sflag:$0x2] =	stream.indirect.gather [hbm4b:s3+s11], $0x80, s18, s11, $0xb8;
	[tilespmem:$0xB400] =	vst v63  }
0x25: {  	s19 =	smov.u32 s17;
	s17 =	sadd.s32 $0x1400, s17;
	_ =	swait.ge [sflag:s13], $0x5000  }
0x26: {  	[sflag:s13] =	ssyncset.done $0x0  }
0x27: {  	s19 =	sadd.s32 s19, s8;
	[sflag:s13] =	ssyncadd.s32 $0xFFFFB000  }
0x28: {  	[hbm4b:s19+s2] =	stream.linear.scatter [tilespmem:s10], [sflag:$0x3], $0x5000, $0x38;
	[tilespmem:$0xB400] =	vst v63  }
0x29: {  	_ =	swait.ge [sflag:s9], $0x5000  }
0x2a: {  	[sflag:s9] =	ssyncset.done $0x0  }
0x2b: {  	s20 =	sadd.s32 $0xA0, s18;
	[sflag:s9] =	ssyncadd.s32 $0xFFFFB000  }
0x2c: {  	[tilespmem:s10], [sflag:$0x1] =	stream.indirect.gather [hbm4b:s3+s11], $0x80, s20, s11, $0xb8;
	[tilespmem:$0xB400] =	vst v63  }
0x2d: {  	_ =	swait.ge [sflag:s14], $0x5000  }
.Ltmp0:
0x2e: {  	[sflag:s14] =	ssyncset.done $0x0;
	(pc) =	sbr.rel @p0 .LBB2_2-.Ltmp0, $4  }
0x2f: {  	s19 =	sadd.s32 $0xA00, s19;
	[sflag:s14] =	ssyncadd.s32 $0xFFFFB000  }
0x30: {  	[hbm4b:s19+s2] =	stream.linear.scatter [tilespmem:s12], [sflag:$0x3], $0x5000, $0x38;
	[tilespmem:$0xB400] =	vst v63  }
0x31: {  	_ =	swait.ge [sflag:s9], $0x5000  }
0x32: {  	[sflag:s9] =	ssyncset.done $0x0  }
0x33: {  	[sflag:s9] =	ssyncadd.s32 $0xFFFFB000  }
0x34: {  	[tilespmem:s12], [sflag:$0x2] =	stream.indirect.gather [hbm4b:s3+s11], $0x80, s15, s11, $0xb8;
	[tilespmem:$0xB400] =	vst v63  }
0x35: {  	_ =	swait.ge [sflag:s13], $0x5000  }
0x36: {  	[sflag:s13] =	ssyncset.done $0x0  }
0x37: {  	[sflag:s13] =	ssyncadd.s32 $0xFFFFB000  }
0x38: {  	[hbm4b:s6+s2] =	stream.linear.scatter [tilespmem:s10], [sflag:$0x3], $0x5000, $0x38;
	[tilespmem:$0xB400] =	vst v63  }
0x39: {  	_ =	swait.ge [sflag:s9], $0x5000  }
0x3a: {  	[sflag:s9] =	ssyncset.done $0x0  }
0x3b: {  	[sflag:s9] =	ssyncadd.s32 $0xFFFFB000  }
0x3c: {  	s16 =	sadd.s32 $0x1, s16;
	_ =	swait.ge [sflag:s14], $0x5000  }
0x3d: {  	p0 =	sne.s32 s16, s5;
	[sflag:s14] =	ssyncset.done $0x0  }
.Ltmp1:
0x3e: {  	[sflag:s14] =	ssyncadd.s32 $0xFFFFB000;
	(pc) =	sbr.rel @p0 .LBB2_1-.Ltmp1, $4  }
0x3f: {  	[hbm4b:s7+s2] =	stream.linear.scatter [tilespmem:s12], [sflag:$0x3], $0x5000, $0x38;
	[tilespmem:$0xB400] =	vst v63  }
0x40: {  	_ =	swait.ge [sflag:s9], $0x5000  }
0x41: {  	[sflag:s9] =	ssyncset.done $0x0  }
0x42: {  	[sflag:s9] =	ssyncadd.s32 $0xFFFFB000  }
0x43: {  	_ =	sfence.sel $0x180000  }
0x44: {  	[bflag:$0x0] =	sbarrier.arrive $0xFFFF  }
0x45: {  	p0 =	sne.s32 s0, $0x0;
	_ =	strace $0x90000050  }
0x46: {  	s0 =	sadd.s32 @!p0 $0x100000, s1;
	[bflag:$0x2] =	sbarrier.arrive $0xFFFF  }
0x47: {  	[sflag:s0] =	ssyncadd.tile.s32 @!p0 $0x1;
	_ =	shalt  }
.Lfunc_end2:
_tile_overlayer_lowered:
.L_overlay_start_2:
0x48: {  	(tag) =	ssettag $0x2  }
0x49: {  	s0 =	rddreg [dreg:$0x0];
	s2 =	stileid.u32  }
0x4a: {  	s1 =	rddreg [dreg:$0x1];
	p0 =	sne.s32 s2, $0x0  }
0x4b: {  	s3 =	rddreg [dreg:$0x2];
	[bflag:$0x3] =	sbarrier.arrive $0xFFFF;
	s2 =	simm.s32 @!p0 $0x1C03  }
0x4c: {  	[timem:s3], [sflag:s2] =	dma.local @!p0 [hbm:s0], s1  }
0x4d: {  	s0 =	simm.s32 @!p0 $0x3  }
0x4e: {  	_ =	swait.ge @!p0 [sflag:s0], s1  }
0x4f: {  	s1 =	ssub.s32 @!p0 $0x0, s1;
	[sflag:s0] =	ssyncset.done @!p0 $0x0  }
0x50: {  	[sflag:s0] =	ssyncadd.s32 @!p0 s1  }
0x51: {  	[bflag:$0x3] =	sbarrier.arrive $0xFFFF  }
0x52: {  	_ =	shalt  }

</sc_bundles>
